<compile_context>
chip_gen: v7x
topology: tpu7x:2x2x1
jax: 0.10.2.dev20260603
libtpu: 0.0.44.dev20260713+nightly
codegen_flags: <defaults>
</compile_context>

<pallas_src>
import functools

import jax
import jax.numpy as jnp
from jax import lax
from jax.experimental import pallas as pl
from jax.experimental.pallas import tpu as pltpu
from jax.experimental.pallas import tpu_sc as plsc

N = 10000
E = 320000
D = 128
OUT = 128

NC = 2
NS = 16
NW = NC * NS
CPW = D // NW
CHUNK = 10000
NCHUNK = E // CHUNK
NPAD = 10240


def _sc_body(ht_hbm, edata_hbm, zacc_hbm, zdeg_hbm,
             out_hbm, hcol_v, acc_v, deg_v, ebuf_v):
    c = lax.axis_index("c")
    s = lax.axis_index("s")
    w = c * NS + s

    pltpu.sync_copy(ht_hbm.at[pl.ds(w * CPW, CPW)], hcol_v)
    pltpu.sync_copy(zacc_hbm, acc_v)
    pltpu.sync_copy(zdeg_hbm, deg_v)

    ones16 = jnp.full((16,), 1.0, jnp.float32)
    zeros16i = jnp.full((16,), 0, jnp.int32)
    kfs = [jnp.full((16,), k, jnp.int32) for k in range(CPW)]

    def chunk_body(ci, carry):
        pltpu.sync_copy(edata_hbm.at[pl.ds(ci * 3 * CHUNK, 3 * CHUNK)],
                        ebuf_v)

        @plsc.parallel_loop(0, CHUNK, 16, unroll=12)
        def grp_body(e0):
            src16 = ebuf_v[pl.ds(e0, 16)]
            dst16 = ebuf_v[pl.ds(CHUNK + e0, 16)]
            d16 = plsc.bitcast(ebuf_v[pl.ds(2 * CHUNK + e0, 16)],
                               jnp.float32)
            plsc.addupdate_scatter(deg_v, [zeros16i, dst16], ones16)
            for k in range(CPW):
                vals = plsc.load_gather(hcol_v, [kfs[k], src16])
                plsc.addupdate_scatter(acc_v, [kfs[k], dst16], vals * d16)

        return carry

    lax.fori_loop(0, NCHUNK, chunk_body, 0)

    @plsc.parallel_loop(0, N, 16, unroll=4)
    def norm_body(v0):
        sl = pl.ds(v0, 16)
        dv = deg_v[0, sl]
        nv = jnp.where(dv > 0.0, 1.0 / dv, 0.0)
        for k in range(CPW):
            acc_v[k, sl] = acc_v[k, sl] * nv

    pltpu.sync_copy(acc_v, out_hbm.at[pl.ds(w * CPW, CPW)])


_sc_aggregate = functools.partial(
    pl.kernel,
    out_type=jax.ShapeDtypeStruct((D, N), jnp.float32),
    mesh=plsc.VectorSubcoreMesh(core_axis_name="c", subcore_axis_name="s",
                                num_cores=NC, num_subcores=NS),
    compiler_params=pltpu.CompilerParams(needs_layout_passes=False),
    scratch_types=[
        pltpu.VMEM((CPW, N), jnp.float32),
        pltpu.VMEM((CPW, N), jnp.float32),
        pltpu.VMEM((1, NPAD), jnp.float32),
        pltpu.VMEM((3 * CHUNK,), jnp.int32),
    ],
)(_sc_body)


TCR = 1000


def _tc_body(h_ref, ahn_ref, w_ref, b_ref, g_ref, be_ref, o_ref):
    hc = jnp.concatenate([h_ref[...], ahn_ref[...]], axis=1)
    z = lax.dot_general(hc, w_ref[...], (((1,), (1,)), ((), ())),
                        preferred_element_type=jnp.float32)
    z = z + b_ref[...]
    mu = jnp.mean(z, axis=-1, keepdims=True)
    var = jnp.mean((z - mu) * (z - mu), axis=-1, keepdims=True)
    zn = (z - mu) * lax.rsqrt(var + 1e-5)
    o_ref[...] = jnp.maximum(zn * g_ref[...] + be_ref[...], 0.0)


def _tc_finish(h, ahn, W, b, gamma, beta):
    return pl.pallas_call(
        _tc_body,
        grid=(N // TCR,),
        in_specs=[
            pl.BlockSpec((TCR, D), lambda i: (i, 0)),
            pl.BlockSpec((TCR, D), lambda i: (i, 0)),
            pl.BlockSpec((OUT, 2 * D), lambda i: (0, 0)),
            pl.BlockSpec((1, OUT), lambda i: (0, 0)),
            pl.BlockSpec((1, OUT), lambda i: (0, 0)),
            pl.BlockSpec((1, OUT), lambda i: (0, 0)),
        ],
        out_specs=pl.BlockSpec((TCR, OUT), lambda i: (i, 0)),
        out_shape=jax.ShapeDtypeStruct((N, OUT), jnp.float32),
    )(h, ahn, W, b, gamma, beta)


@jax.jit
def kernel(h, edge_index, dist, W, b, gamma, beta):
    dist_bits = lax.bitcast_convert_type(dist, jnp.int32)
    edata = (jnp.concatenate([edge_index, dist_bits[None]], axis=0)
             .reshape(3, NCHUNK, CHUNK).transpose(1, 0, 2).reshape(-1))
    ht = h.T
    zacc = jnp.zeros((CPW, N), jnp.float32)
    zdeg = jnp.zeros((1, NPAD), jnp.float32)
    ahnt = _sc_aggregate(ht, edata, zacc, zdeg)
    return _tc_finish(h, ahnt.T, W, b.reshape(1, OUT),
                      gamma.reshape(1, OUT), beta.reshape(1, OUT))

# --- scband reference (transcript-rebuilt; emitter-appended) ---
"""Pipeline reference for scband-gcn-sagelayer-5609227288770 (READ-ONLY COPY).

The authoritative reference and input builder live on the scoring server;
editing this copy changes nothing except your own understanding.
"""

import jax, jax.numpy as jnp
import numpy as np

N = 10000
E = 320000
D = 128
OUT = 128

def setup_inputs(seed: int = 0) -> dict:
    key = jax.random.key(seed)
    k1, k2, k3, k4, k5 = jax.random.split(key, 5)
    h = jax.random.normal(k1, (N, D), dtype=jnp.float32)
    edge_index = jax.random.randint(k2, (2, E), 0, N, dtype=jnp.int32)
    dist = jax.random.uniform(k3, (E,), dtype=jnp.float32)
    stdv = 1.0 / np.sqrt(2 * D)
    W = jax.random.uniform(k4, (OUT, 2 * D), minval=-stdv, maxval=stdv, dtype=jnp.float32)
    b = jax.random.uniform(k5, (OUT,), minval=-stdv, maxval=stdv, dtype=jnp.float32)
    gamma = jnp.ones((OUT,), dtype=jnp.float32)
    beta = jnp.zeros((OUT,), dtype=jnp.float32)
    return {"h": h, "edge_index": edge_index, "dist": dist, "W": W, "b": b, "gamma": gamma, "beta": beta}

def reference(h, edge_index, dist, W, b, gamma, beta):
    src = edge_index[0]
    dst = edge_index[1]
    # message passing: m_e = h[src_e] * dist_e ; ah[v] = sum_{e: dst_e==v} m_e
    m = h[src] * dist[:, None]
    ah = jax.ops.segment_sum(m, dst, num_segments=N)
    # norm = 1 / in_degree, inf -> 0
    deg = jnp.bincount(dst, length=N).astype(jnp.float32)
    norm = jnp.where(deg > 0, 1.0 / deg, 0.0)[:, None]
    # concat(h, ah * norm)
    hc = jnp.concatenate([h, ah * norm], axis=1)
    # linear (dropout = 0.0, skipped)
    z = hc @ W.T + b
    # layernorm (elementwise affine)
    mu = jnp.mean(z, axis=-1, keepdims=True)
    var = jnp.var(z, axis=-1, keepdims=True)
    zn = (z - mu) / jnp.sqrt(var + 1e-5)
    zn = zn * gamma + beta
    # activation = relu
    return jax.nn.relu(zn)

if __name__ == "__main__":
    import jax
    _d = setup_inputs()
    print(jax.jit(kernel)(*tuple(_d.values())))

</pallas_src>

<mosaic_0001>
#map = affine_map<(d0, d1) -> (0, 0)>
#map1 = affine_map<(d0, d1) -> (0)>
module attributes {stable_mosaic.version = 14 : i64} {
  func.func @_sc_body(%arg0: i32, %arg1: i32, %arg2: memref<128x10000xf32, #tpu.memory_space<hbm>>, %arg3: memref<960000xi32, #tpu.memory_space<hbm>>, %arg4: memref<4x10000xf32, #tpu.memory_space<hbm>>, %arg5: memref<1x10240xf32, #tpu.memory_space<hbm>>, %arg6: memref<128x10000xf32, #tpu.memory_space<hbm>>, %arg7: memref<4x10000xf32, #tpu.memory_space<vmem>>, %arg8: memref<4x10000xf32, #tpu.memory_space<vmem>>, %arg9: memref<1x10240xf32, #tpu.memory_space<vmem>>, %arg10: memref<30000xi32, #tpu.memory_space<vmem>>) attributes {dimension_semantics = [#tpu.dimension_semantics<core_parallel>, #tpu.dimension_semantics<subcore_parallel>], iteration_bounds = array<i64: 2, 16>, scalar_prefetch = 0 : i64, scratch_operands = 4 : i64, tpu.core_type = #tpu.core_type<sc_vector_subcore>, window_params = [{transform_indices = #map}, {transform_indices = #map1}, {transform_indices = #map}, {transform_indices = #map}, {transform_indices = #map}]} {
    %mul3A = arith.constant 16 : i32
    %mul3A_0 = arith.muli %arg0, %mul3A : i32
    %add3A = arith.addi %mul3A_0, %arg1 : i32
    %mul3A_1 = arith.constant 4 : i32
    %mul3A_2 = arith.muli %add3A, %mul3A_1 : i32
    "tpu.region"() ({
      %run_scoped3A = tpu.sem_alloc : memref<!tpu.dma_semaphore, #tpu.memory_space<semaphore_mem>>
      %dma_start3A = arith.constant 0 : i32
      %dma_start3A_23 = tpu.memref_slice %arg2[%mul3A_2, %dma_start3A] : memref<128x10000xf32, #tpu.memory_space<hbm>> -> memref<4x10000xf32, #tpu.memory_space<hbm>>
      %dma_start3A_24 = arith.constant 0 : i32
      %dma_start3A_25 = tpu.memref_slice %arg2[%mul3A_2, %dma_start3A_24] : memref<128x10000xf32, #tpu.memory_space<hbm>> -> memref<4x10000xf32, #tpu.memory_space<hbm>>
      tpu.enqueue_dma source(%dma_start3A_25 : memref<4x10000xf32, #tpu.memory_space<hbm>>) target(%arg7 : memref<4x10000xf32, #tpu.memory_space<vmem>>) target_semaphore(%run_scoped3A : memref<!tpu.dma_semaphore, #tpu.memory_space<semaphore_mem>>)
      %dma_wait3A = arith.constant 0 : i32
      %dma_wait3A_26 = tpu.memref_slice %arg2[%mul3A_2, %dma_wait3A] : memref<128x10000xf32, #tpu.memory_space<hbm>> -> memref<4x10000xf32, #tpu.memory_space<hbm>>
      %dma_wait3A_27 = arith.constant 0 : i32
      %dma_wait3A_28 = tpu.memref_slice %arg2[%mul3A_2, %dma_wait3A_27] : memref<128x10000xf32, #tpu.memory_space<hbm>> -> memref<4x10000xf32, #tpu.memory_space<hbm>>
      tpu.wait_dma2 semaphore(%run_scoped3A : memref<!tpu.dma_semaphore, #tpu.memory_space<semaphore_mem>>) src(%dma_wait3A_28 : memref<4x10000xf32, #tpu.memory_space<hbm>>) dst(%arg7 : memref<4x10000xf32, #tpu.memory_space<vmem>>)
      tpu.yield
    }) : () -> ()
    "tpu.region"() ({
      %run_scoped3A = tpu.sem_alloc : memref<!tpu.dma_semaphore, #tpu.memory_space<semaphore_mem>>
      tpu.enqueue_dma source(%arg4 : memref<4x10000xf32, #tpu.memory_space<hbm>>) target(%arg8 : memref<4x10000xf32, #tpu.memory_space<vmem>>) target_semaphore(%run_scoped3A : memref<!tpu.dma_semaphore, #tpu.memory_space<semaphore_mem>>)
      tpu.wait_dma2 semaphore(%run_scoped3A : memref<!tpu.dma_semaphore, #tpu.memory_space<semaphore_mem>>) src(%arg4 : memref<4x10000xf32, #tpu.memory_space<hbm>>) dst(%arg8 : memref<4x10000xf32, #tpu.memory_space<vmem>>)
      tpu.yield
    }) : () -> ()
    "tpu.region"() ({
      %run_scoped3A = tpu.sem_alloc : memref<!tpu.dma_semaphore, #tpu.memory_space<semaphore_mem>>
      tpu.enqueue_dma source(%arg5 : memref<1x10240xf32, #tpu.memory_space<hbm>>) target(%arg9 : memref<1x10240xf32, #tpu.memory_space<vmem>>) target_semaphore(%run_scoped3A : memref<!tpu.dma_semaphore, #tpu.memory_space<semaphore_mem>>)
      tpu.wait_dma2 semaphore(%run_scoped3A : memref<!tpu.dma_semaphore, #tpu.memory_space<semaphore_mem>>) src(%arg5 : memref<1x10240xf32, #tpu.memory_space<hbm>>) dst(%arg9 : memref<1x10240xf32, #tpu.memory_space<vmem>>)
      tpu.yield
    }) : () -> ()
    %broadcast_in_dim3A = arith.constant 1.000000e+00 : f32
    %broadcast_in_dim3A_3 = vector.broadcast %broadcast_in_dim3A : f32 to vector<16xf32>
    %broadcast_in_dim3A_4 = arith.constant 0 : i32
    %broadcast_in_dim3A_5 = vector.broadcast %broadcast_in_dim3A_4 : i32 to vector<16xi32>
    %broadcast_in_dim3A_6 = arith.constant 0 : i32
    %broadcast_in_dim3A_7 = vector.broadcast %broadcast_in_dim3A_6 : i32 to vector<16xi32>
    %broadcast_in_dim3A_8 = arith.constant 1 : i32
    %broadcast_in_dim3A_9 = vector.broadcast %broadcast_in_dim3A_8 : i32 to vector<16xi32>
    %broadcast_in_dim3A_10 = arith.constant 2 : i32
    %broadcast_in_dim3A_11 = vector.broadcast %broadcast_in_dim3A_10 : i32 to vector<16xi32>
    %broadcast_in_dim3A_12 = arith.constant 3 : i32
    %broadcast_in_dim3A_13 = vector.broadcast %broadcast_in_dim3A_12 : i32 to vector<16xi32>
    %scan3A = arith.constant 0 : i32
    %scan3A_14 = arith.constant 0 : i32
    %scan3A_15 = arith.constant 32 : i32
    %scan3A_16 = arith.addi %scan3A_14, %scan3A_15 : i32
    %scan3A_17 = arith.constant 1 : i32
    scf.for %scan3A_23 = %scan3A_14 to %scan3A_16 step %scan3A_17  : i32 {
      %mul3A_24 = arith.constant 3 : i32
      %mul3A_25 = arith.muli %scan3A_23, %mul3A_24 : i32
      %mul3A_26 = arith.constant 10000 : i32
      %mul3A_27 = arith.muli %mul3A_25, %mul3A_26 : i32
      "tpu.region"() ({
        %run_scoped3A = tpu.sem_alloc : memref<!tpu.dma_semaphore, #tpu.memory_space<semaphore_mem>>
        %dma_start3A = tpu.memref_slice %arg3[%mul3A_27] : memref<960000xi32, #tpu.memory_space<hbm>> -> memref<30000xi32, #tpu.memory_space<hbm>>
        %dma_start3A_31 = tpu.memref_slice %arg3[%mul3A_27] : memref<960000xi32, #tpu.memory_space<hbm>> -> memref<30000xi32, #tpu.memory_space<hbm>>
        tpu.enqueue_dma source(%dma_start3A_31 : memref<30000xi32, #tpu.memory_space<hbm>>) target(%arg10 : memref<30000xi32, #tpu.memory_space<vmem>>) target_semaphore(%run_scoped3A : memref<!tpu.dma_semaphore, #tpu.memory_space<semaphore_mem>>)
        %dma_wait3A = tpu.memref_slice %arg3[%mul3A_27] : memref<960000xi32, #tpu.memory_space<hbm>> -> memref<30000xi32, #tpu.memory_space<hbm>>
        %dma_wait3A_32 = tpu.memref_slice %arg3[%mul3A_27] : memref<960000xi32, #tpu.memory_space<hbm>> -> memref<30000xi32, #tpu.memory_space<hbm>>
        tpu.wait_dma2 semaphore(%run_scoped3A : memref<!tpu.dma_semaphore, #tpu.memory_space<semaphore_mem>>) src(%dma_wait3A_32 : memref<30000xi32, #tpu.memory_space<hbm>>) dst(%arg10 : memref<30000xi32, #tpu.memory_space<vmem>>)
        tpu.yield
      }) : () -> ()
      %parallel_loop3A_28 = arith.constant 0 : i32
      %parallel_loop3A_29 = arith.constant 10000 : i32
      %parallel_loop3A_30 = arith.constant 16 : i32
      scf.for %parallel_loop3A_31 = %parallel_loop3A_28 to %parallel_loop3A_29 step %parallel_loop3A_30  : i32 {
        %parallel_loop3A_32 = arith.index_cast %parallel_loop3A_31 : i32 to index
        %parallel_loop3A_33 = tpu.vector_load %arg10[%parallel_loop3A_32] {strides = array<i32>} : memref<30000xi32, #tpu.memory_space<vmem>>, vector<16xi32>,
        %parallel_loop3A_34 = arith.constant 10000 : i32
        %parallel_loop3A_35 = arith.addi %parallel_loop3A_34, %parallel_loop3A_31 : i32
        %parallel_loop3A_36 = arith.index_cast %parallel_loop3A_35 : i32 to index
        %parallel_loop3A_37 = tpu.vector_load %arg10[%parallel_loop3A_36] {strides = array<i32>} : memref<30000xi32, #tpu.memory_space<vmem>>, vector<16xi32>,
        %parallel_loop3A_38 = arith.constant 20000 : i32
        %parallel_loop3A_39 = arith.addi %parallel_loop3A_38, %parallel_loop3A_31 : i32
        %parallel_loop3A_40 = arith.index_cast %parallel_loop3A_39 : i32 to index
        %parallel_loop3A_41 = tpu.vector_load %arg10[%parallel_loop3A_40] {strides = array<i32>} : memref<30000xi32, #tpu.memory_space<vmem>>, vector<16xi32>,
        %parallel_loop3A_42 = vector.bitcast %parallel_loop3A_41 : vector<16xi32> to vector<16xf32>
        tpu.vector_store_idx %arg9[%broadcast_in_dim3A_5, %parallel_loop3A_37], %broadcast_in_dim3A_3 {add = true} : memref<1x10240xf32, #tpu.memory_space<vmem>>[vector<16xi32>, vector<16xi32>], vector<16xf32>,
        %parallel_loop3A_43 = tpu.vector_load_idx %arg7[%broadcast_in_dim3A_7, %parallel_loop3A_33] : memref<4x10000xf32, #tpu.memory_space<vmem>>[vector<16xi32>, vector<16xi32>], vector<16xf32>,
        %parallel_loop3A_44 = arith.mulf %parallel_loop3A_43, %parallel_loop3A_42 : vector<16xf32>
        tpu.vector_store_idx %arg8[%broadcast_in_dim3A_7, %parallel_loop3A_37], %parallel_loop3A_44 {add = true} : memref<4x10000xf32, #tpu.memory_space<vmem>>[vector<16xi32>, vector<16xi32>], vector<16xf32>,
        %parallel_loop3A_45 = tpu.vector_load_idx %arg7[%broadcast_in_dim3A_9, %parallel_loop3A_33] : memref<4x10000xf32, #tpu.memory_space<vmem>>[vector<16xi32>, vector<16xi32>], vector<16xf32>,
        %parallel_loop3A_46 = arith.mulf %parallel_loop3A_45, %parallel_loop3A_42 : vector<16xf32>
        tpu.vector_store_idx %arg8[%broadcast_in_dim3A_9, %parallel_loop3A_37], %parallel_loop3A_46 {add = true} : memref<4x10000xf32, #tpu.memory_space<vmem>>[vector<16xi32>, vector<16xi32>], vector<16xf32>,
        %parallel_loop3A_47 = tpu.vector_load_idx %arg7[%broadcast_in_dim3A_11, %parallel_loop3A_33] : memref<4x10000xf32, #tpu.memory_space<vmem>>[vector<16xi32>, vector<16xi32>], vector<16xf32>,
        %parallel_loop3A_48 = arith.mulf %parallel_loop3A_47, %parallel_loop3A_42 : vector<16xf32>
        tpu.vector_store_idx %arg8[%broadcast_in_dim3A_11, %parallel_loop3A_37], %parallel_loop3A_48 {add = true} : memref<4x10000xf32, #tpu.memory_space<vmem>>[vector<16xi32>, vector<16xi32>], vector<16xf32>,
        %parallel_loop3A_49 = tpu.vector_load_idx %arg7[%broadcast_in_dim3A_13, %parallel_loop3A_33] : memref<4x10000xf32, #tpu.memory_space<vmem>>[vector<16xi32>, vector<16xi32>], vector<16xf32>,
        %parallel_loop3A_50 = arith.mulf %parallel_loop3A_49, %parallel_loop3A_42 : vector<16xf32>
        tpu.vector_store_idx %arg8[%broadcast_in_dim3A_13, %parallel_loop3A_37], %parallel_loop3A_50 {add = true} : memref<4x10000xf32, #tpu.memory_space<vmem>>[vector<16xi32>, vector<16xi32>], vector<16xf32>,
      } {sc.loop_unroll_factor = 12 : i64, sc.parallel_access}
    }
    %scan3A_18 = arith.constant 32 : i32
    %parallel_loop3A = arith.constant 0 : i32
    %parallel_loop3A_19 = arith.constant 10000 : i32
    %parallel_loop3A_20 = arith.constant 16 : i32
    scf.for %parallel_loop3A_23 = %parallel_loop3A to %parallel_loop3A_19 step %parallel_loop3A_20  : i32 {
      %parallel_loop3A_24 = arith.constant 0 : i32
      %parallel_loop3A_25 = arith.index_cast %parallel_loop3A_24 : i32 to index
      %parallel_loop3A_26 = arith.index_cast %parallel_loop3A_23 : i32 to index
      %parallel_loop3A_27 = tpu.vector_load %arg9[%parallel_loop3A_25, %parallel_loop3A_26] {strides = array<i32>} : memref<1x10240xf32, #tpu.memory_space<vmem>>, vector<16xf32>,
      %parallel_loop3A_28 = arith.constant 0.000000e+00 : f32
      %parallel_loop3A_29 = vector.broadcast %parallel_loop3A_28 : f32 to vector<16xf32>
      %parallel_loop3A_30 = arith.cmpf ogt, %parallel_loop3A_27, %parallel_loop3A_29 : vector<16xf32>
      %parallel_loop3A_31 = arith.constant 1.000000e+00 : f32
      %parallel_loop3A_32 = vector.broadcast %parallel_loop3A_31 : f32 to vector<16xf32>
      %parallel_loop3A_33 = arith.divf %parallel_loop3A_32, %parallel_loop3A_27 : vector<16xf32>
      %parallel_loop3A_34 = arith.constant 0.000000e+00 : f32
      %parallel_loop3A_35 = vector.broadcast %parallel_loop3A_34 : f32 to vector<16xf32>
      %parallel_loop3A_36 = arith.select %parallel_loop3A_30, %parallel_loop3A_33, %parallel_loop3A_35 : vector<16xi1>, vector<16xf32>
      %parallel_loop3A_37 = arith.constant 0 : i32
      %parallel_loop3A_38 = arith.index_cast %parallel_loop3A_37 : i32 to index
      %parallel_loop3A_39 = arith.index_cast %parallel_loop3A_23 : i32 to index
      %parallel_loop3A_40 = tpu.vector_load %arg8[%parallel_loop3A_38, %parallel_loop3A_39] {strides = array<i32>} : memref<4x10000xf32, #tpu.memory_space<vmem>>, vector<16xf32>,
      %parallel_loop3A_41 = arith.mulf %parallel_loop3A_40, %parallel_loop3A_36 : vector<16xf32>
      %parallel_loop3A_42 = arith.constant 0 : i32
      %parallel_loop3A_43 = arith.index_cast %parallel_loop3A_42 : i32 to index
      %parallel_loop3A_44 = arith.index_cast %parallel_loop3A_23 : i32 to index
      %parallel_loop3A_45 = tpu.vector_load %arg8[%parallel_loop3A_43, %parallel_loop3A_44] {strides = array<i32>} : memref<4x10000xf32, #tpu.memory_space<vmem>>, vector<16xf32>,
      tpu.vector_store %arg8[%parallel_loop3A_43, %parallel_loop3A_44], %parallel_loop3A_41 {strides = array<i32>} : memref<4x10000xf32, #tpu.memory_space<vmem>>, vector<16xf32>,
      %parallel_loop3A_46 = arith.constant 1 : i32
      %parallel_loop3A_47 = arith.index_cast %parallel_loop3A_46 : i32 to index
      %parallel_loop3A_48 = arith.index_cast %parallel_loop3A_23 : i32 to index
      %parallel_loop3A_49 = tpu.vector_load %arg8[%parallel_loop3A_47, %parallel_loop3A_48] {strides = array<i32>} : memref<4x10000xf32, #tpu.memory_space<vmem>>, vector<16xf32>,
      %parallel_loop3A_50 = arith.mulf %parallel_loop3A_49, %parallel_loop3A_36 : vector<16xf32>
      %parallel_loop3A_51 = arith.constant 1 : i32
      %parallel_loop3A_52 = arith.index_cast %parallel_loop3A_51 : i32 to index
      %parallel_loop3A_53 = arith.index_cast %parallel_loop3A_23 : i32 to index
      %parallel_loop3A_54 = tpu.vector_load %arg8[%parallel_loop3A_52, %parallel_loop3A_53] {strides = array<i32>} : memref<4x10000xf32, #tpu.memory_space<vmem>>, vector<16xf32>,
      tpu.vector_store %arg8[%parallel_loop3A_52, %parallel_loop3A_53], %parallel_loop3A_50 {strides = array<i32>} : memref<4x10000xf32, #tpu.memory_space<vmem>>, vector<16xf32>,
      %parallel_loop3A_55 = arith.constant 2 : i32
      %parallel_loop3A_56 = arith.index_cast %parallel_loop3A_55 : i32 to index
      %parallel_loop3A_57 = arith.index_cast %parallel_loop3A_23 : i32 to index
      %parallel_loop3A_58 = tpu.vector_load %arg8[%parallel_loop3A_56, %parallel_loop3A_57] {strides = array<i32>} : memref<4x10000xf32, #tpu.memory_space<vmem>>, vector<16xf32>,
      %parallel_loop3A_59 = arith.mulf %parallel_loop3A_58, %parallel_loop3A_36 : vector<16xf32>
      %parallel_loop3A_60 = arith.constant 2 : i32
      %parallel_loop3A_61 = arith.index_cast %parallel_loop3A_60 : i32 to index
      %parallel_loop3A_62 = arith.index_cast %parallel_loop3A_23 : i32 to index
      %parallel_loop3A_63 = tpu.vector_load %arg8[%parallel_loop3A_61, %parallel_loop3A_62] {strides = array<i32>} : memref<4x10000xf32, #tpu.memory_space<vmem>>, vector<16xf32>,
      tpu.vector_store %arg8[%parallel_loop3A_61, %parallel_loop3A_62], %parallel_loop3A_59 {strides = array<i32>} : memref<4x10000xf32, #tpu.memory_space<vmem>>, vector<16xf32>,
      %parallel_loop3A_64 = arith.constant 3 : i32
      %parallel_loop3A_65 = arith.index_cast %parallel_loop3A_64 : i32 to index
      %parallel_loop3A_66 = arith.index_cast %parallel_loop3A_23 : i32 to index
      %parallel_loop3A_67 = tpu.vector_load %arg8[%parallel_loop3A_65, %parallel_loop3A_66] {strides = array<i32>} : memref<4x10000xf32, #tpu.memory_space<vmem>>, vector<16xf32>,
      %parallel_loop3A_68 = arith.mulf %parallel_loop3A_67, %parallel_loop3A_36 : vector<16xf32>
      %parallel_loop3A_69 = arith.constant 3 : i32
      %parallel_loop3A_70 = arith.index_cast %parallel_loop3A_69 : i32 to index
      %parallel_loop3A_71 = arith.index_cast %parallel_loop3A_23 : i32 to index
      %parallel_loop3A_72 = tpu.vector_load %arg8[%parallel_loop3A_70, %parallel_loop3A_71] {strides = array<i32>} : memref<4x10000xf32, #tpu.memory_space<vmem>>, vector<16xf32>,
      tpu.vector_store %arg8[%parallel_loop3A_70, %parallel_loop3A_71], %parallel_loop3A_68 {strides = array<i32>} : memref<4x10000xf32, #tpu.memory_space<vmem>>, vector<16xf32>,
    } {sc.loop_unroll_factor = 4 : i64, sc.parallel_access}
    %mul3A_21 = arith.constant 4 : i32
    %mul3A_22 = arith.muli %add3A, %mul3A_21 : i32
    "tpu.region"() ({
      %run_scoped3A = tpu.sem_alloc : memref<!tpu.dma_semaphore, #tpu.memory_space<semaphore_mem>>
      %dma_start3A = arith.constant 0 : i32
      %dma_start3A_23 = tpu.memref_slice %arg6[%mul3A_22, %dma_start3A] : memref<128x10000xf32, #tpu.memory_space<hbm>> -> memref<4x10000xf32, #tpu.memory_space<hbm>>
      %dma_start3A_24 = arith.constant 0 : i32
      %dma_start3A_25 = tpu.memref_slice %arg6[%mul3A_22, %dma_start3A_24] : memref<128x10000xf32, #tpu.memory_space<hbm>> -> memref<4x10000xf32, #tpu.memory_space<hbm>>
      tpu.enqueue_dma source(%arg8 : memref<4x10000xf32, #tpu.memory_space<vmem>>) target(%dma_start3A_25 : memref<4x10000xf32, #tpu.memory_space<hbm>>) target_semaphore(%run_scoped3A : memref<!tpu.dma_semaphore, #tpu.memory_space<semaphore_mem>>)
      %dma_wait3A = arith.constant 0 : i32
      %dma_wait3A_26 = tpu.memref_slice %arg6[%mul3A_22, %dma_wait3A] : memref<128x10000xf32, #tpu.memory_space<hbm>> -> memref<4x10000xf32, #tpu.memory_space<hbm>>
      %dma_wait3A_27 = arith.constant 0 : i32
      %dma_wait3A_28 = tpu.memref_slice %arg6[%mul3A_22, %dma_wait3A_27] : memref<128x10000xf32, #tpu.memory_space<hbm>> -> memref<4x10000xf32, #tpu.memory_space<hbm>>
      tpu.wait_dma2 semaphore(%run_scoped3A : memref<!tpu.dma_semaphore, #tpu.memory_space<semaphore_mem>>) src(%arg8 : memref<4x10000xf32, #tpu.memory_space<vmem>>) dst(%dma_wait3A_28 : memref<4x10000xf32, #tpu.memory_space<hbm>>)
      tpu.yield
    }) : () -> ()
    return
  }
}

module attributes {stable_mosaic.version = 14 : i64} {
  func.func @_tc_body(%arg0: i32, %arg1: memref<1000x128xf32, #tpu.memory_space<vmem>>, %arg2: memref<1000x128xf32, #tpu.memory_space<vmem>>, %arg3: memref<128x256xf32, #tpu.memory_space<vmem>>, %arg4: memref<1x128xf32, #tpu.memory_space<vmem>>, %arg5: memref<1x128xf32, #tpu.memory_space<vmem>>, %arg6: memref<1x128xf32, #tpu.memory_space<vmem>>, %arg7: memref<1000x128xf32, #tpu.memory_space<vmem>>) attributes {dimension_semantics = [#tpu.dimension_semantics<arbitrary>], iteration_bounds = array<i64: 10>, scalar_prefetch = 0 : i64, scratch_operands = 0 : i64, tpu.core_type = #tpu.core_type<tc>, window_params = [{transform_indices = @transform_0, window_bounds = array<i64: 1000, 128>}, {transform_indices = @transform_1, window_bounds = array<i64: 1000, 128>}, {pipeline_mode = #tpu.pipeline_mode<synchronous>, transform_indices = @transform_2, window_bounds = array<i64: 128, 256>}, {pipeline_mode = #tpu.pipeline_mode<synchronous>, transform_indices = @transform_3, window_bounds = array<i64: 1, 128>}, {pipeline_mode = #tpu.pipeline_mode<synchronous>, transform_indices = @transform_4, window_bounds = array<i64: 1, 128>}, {pipeline_mode = #tpu.pipeline_mode<synchronous>, transform_indices = @transform_5, window_bounds = array<i64: 1, 128>}, {transform_indices = @transform_6, window_bounds = array<i64: 1000, 128>}]} {
    %get3A = arith.constant 0 : index
    %get3A_0 = arith.constant 0 : index
    %get3A_1 = vector.load %arg1[%get3A, %get3A_0] : memref<1000x128xf32, #tpu.memory_space<vmem>>, vector<1000x128xf32>
    %get3A_2 = arith.constant 0 : index
    %get3A_3 = arith.constant 0 : index
    %get3A_4 = vector.load %arg2[%get3A_2, %get3A_3] : memref<1000x128xf32, #tpu.memory_space<vmem>>, vector<1000x128xf32>
    %concatenate3A = tpu.concatenate %get3A_1, %get3A_4 in 1 : vector<1000x128xf32>, vector<1000x128xf32> -> vector<1000x256xf32>
    %get3A_5 = arith.constant 0 : index
    %get3A_6 = arith.constant 0 : index
    %get3A_7 = vector.load %arg3[%get3A_5, %get3A_6] : memref<128x256xf32, #tpu.memory_space<vmem>>, vector<128x256xf32>
    %dot_general3A = arith.constant dense<0.000000e+00> : vector<1000x128xf32>
    %dot_general3A_8 = tpu.matmul %concatenate3A, %get3A_7, %dot_general3A {dimension_numbers = #tpu.dot_dimension_numbers<[1], [1], [0], [0], [0, 0, 1, 0], [], []>, transpose_lhs_hint = false} : vector<1000x256xf32>, vector<128x256xf32>, vector<1000x128xf32> -> vector<1000x128xf32>
    %get3A_9 = arith.constant 0 : index
    %get3A_10 = arith.constant 0 : index
    %get3A_11 = vector.load %arg4[%get3A_9, %get3A_10] : memref<1x128xf32, #tpu.memory_space<vmem>>, vector<1x128xf32>
    %add3A = vector.broadcast %get3A_11 : vector<1x128xf32> to vector<1000x128xf32>
    %add3A_12 = arith.addf %dot_general3A_8, %add3A : vector<1000x128xf32>
    %reduce_sum3A = arith.constant dense<0.000000e+00> : vector<1000xf32>
    %reduce_sum3A_13 = vector.multi_reduction <add>, %add3A_12, %reduce_sum3A [1] : vector<1000x128xf32> to vector<1000xf32>
    %broadcast_in_dim3A = vector.shape_cast %reduce_sum3A_13 : vector<1000xf32> to vector<1000x1xf32>
    %div3A = arith.constant 1.280000e+02 : f32
    %div3A_14 = vector.broadcast %div3A : f32 to vector<1000x1xf32>
    %div3A_15 = arith.divf %broadcast_in_dim3A, %div3A_14 : vector<1000x1xf32>
    %sub3A = vector.broadcast %div3A_15 : vector<1000x1xf32> to vector<1000x128xf32>
    %sub3A_16 = arith.subf %add3A_12, %sub3A : vector<1000x128xf32>
    %sub3A_17 = vector.broadcast %div3A_15 : vector<1000x1xf32> to vector<1000x128xf32>
    %sub3A_18 = arith.subf %add3A_12, %sub3A_17 : vector<1000x128xf32>
    %mul3A = arith.mulf %sub3A_16, %sub3A_18 : vector<1000x128xf32>
    %reduce_sum3A_19 = arith.constant dense<0.000000e+00> : vector<1000xf32>
    %reduce_sum3A_20 = vector.multi_reduction <add>, %mul3A, %reduce_sum3A_19 [1] : vector<1000x128xf32> to vector<1000xf32>
    %broadcast_in_dim3A_21 = vector.shape_cast %reduce_sum3A_20 : vector<1000xf32> to vector<1000x1xf32>
    %div3A_22 = arith.constant 1.280000e+02 : f32
    %div3A_23 = vector.broadcast %div3A_22 : f32 to vector<1000x1xf32>
    %div3A_24 = arith.divf %broadcast_in_dim3A_21, %div3A_23 : vector<1000x1xf32>
    %sub3A_25 = vector.broadcast %div3A_15 : vector<1000x1xf32> to vector<1000x128xf32>
    %sub3A_26 = arith.subf %add3A_12, %sub3A_25 : vector<1000x128xf32>
    %add3A_27 = arith.constant 9.99999974E-6 : f32
    %add3A_28 = vector.broadcast %add3A_27 : f32 to vector<1000x1xf32>
    %add3A_29 = arith.addf %div3A_24, %add3A_28 : vector<1000x1xf32>
    %rsqrt3A = math.rsqrt %add3A_29 : vector<1000x1xf32>
    %mul3A_30 = vector.broadcast %rsqrt3A : vector<1000x1xf32> to vector<1000x128xf32>
    %mul3A_31 = arith.mulf %sub3A_26, %mul3A_30 : vector<1000x128xf32>
    %get3A_32 = arith.constant 0 : index
    %get3A_33 = arith.constant 0 : index
    %get3A_34 = vector.load %arg5[%get3A_32, %get3A_33] : memref<1x128xf32, #tpu.memory_space<vmem>>, vector<1x128xf32>
    %mul3A_35 = vector.broadcast %get3A_34 : vector<1x128xf32> to vector<1000x128xf32>
    %mul3A_36 = arith.mulf %mul3A_31, %mul3A_35 : vector<1000x128xf32>
    %get3A_37 = arith.constant 0 : index
    %get3A_38 = arith.constant 0 : index
    %get3A_39 = vector.load %arg6[%get3A_37, %get3A_38] : memref<1x128xf32, #tpu.memory_space<vmem>>, vector<1x128xf32>
    %add3A_40 = vector.broadcast %get3A_39 : vector<1x128xf32> to vector<1000x128xf32>
    %add3A_41 = arith.addf %mul3A_36, %add3A_40 : vector<1000x128xf32>
    %max3A = arith.constant 0.000000e+00 : f32
    %max3A_42 = vector.broadcast %max3A : f32 to vector<1000x128xf32>
    %max3A_43 = arith.maximumf %add3A_41, %max3A_42 : vector<1000x128xf32>
    %swap3A = arith.constant 0 : index
    %swap3A_44 = arith.constant 0 : index
    %swap3A_45 = vector.load %arg7[%swap3A, %swap3A_44] : memref<1000x128xf32, #tpu.memory_space<vmem>>, vector<1000x128xf32>
    tpu.vector_store %arg7[%swap3A, %swap3A_44], %max3A_43 {strides = array<i32>} : memref<1000x128xf32, #tpu.memory_space<vmem>>, vector<1000x128xf32>,
    return
  }
  func.func @transform_0(%arg0: i32) -> (i32, i32) {
    %c0_i32 = arith.constant 0 : i32
    %c0_i32_0 = arith.constant 0 : i32
    return %arg0, %c0_i32 : i32, i32
  }
  func.func @transform_1(%arg0: i32) -> (i32, i32) {
    %c0_i32 = arith.constant 0 : i32
    %c0_i32_0 = arith.constant 0 : i32
    return %arg0, %c0_i32 : i32, i32
  }
  func.func @transform_2(%arg0: i32) -> (i32, i32) {
    %c0_i32 = arith.constant 0 : i32
    %c0_i32_0 = arith.constant 0 : i32
    %c0_i32_1 = arith.constant 0 : i32
    return %c0_i32, %c0_i32_0 : i32, i32
  }
  func.func @transform_3(%arg0: i32) -> (i32, i32) {
    %c0_i32 = arith.constant 0 : i32
    %c0_i32_0 = arith.constant 0 : i32
    %c0_i32_1 = arith.constant 0 : i32
    return %c0_i32, %c0_i32_0 : i32, i32
  }
  func.func @transform_4(%arg0: i32) -> (i32, i32) {
    %c0_i32 = arith.constant 0 : i32
    %c0_i32_0 = arith.constant 0 : i32
    %c0_i32_1 = arith.constant 0 : i32
    return %c0_i32, %c0_i32_0 : i32, i32
  }
  func.func @transform_5(%arg0: i32) -> (i32, i32) {
    %c0_i32 = arith.constant 0 : i32
    %c0_i32_0 = arith.constant 0 : i32
    %c0_i32_1 = arith.constant 0 : i32
    return %c0_i32, %c0_i32_0 : i32, i32
  }
  func.func @transform_6(%arg0: i32) -> (i32, i32) {
    %c0_i32 = arith.constant 0 : i32
    %c0_i32_0 = arith.constant 0 : i32
    return %arg0, %c0_i32 : i32, i32
  }
}

</mosaic_0001>

<sc_bundles>
// kernel: kernel.4.cloned.1.call-start
scs
__scs_entry_jumppad:
0x0: {  	(pc) =	sbr.rel $0x88, $3  }
0x1: {  	(tag) =	ssettag $0x0;
	lr =	simm.s32 $0x1  }
0x2: {  	[smem:$0x3F9A] =	sst lr;
	_ =	strace $0xD0000000  }
0x3: {  	_ = 	snop  }
0x4: {  	_ = 	snop  }
0x5: {  	_ = 	snop  }
0x6: {  	_ = 	snop  }
0x7: {  	_ = 	snop  }
__scs_overlays_trampoline_lowered:
0x8: {  	[smem:$0x3FA9] =	sst s0  }
0x9: {  	[smem:$0x3FAA] =	sst s1  }
0xa: {  	[smem:$0x3FAB] =	sst s2  }
0xb: {  	[smem:$0x3FAC] =	sst s3  }
0xc: {  	[smem:$0x3FAD] =	sst s4  }
0xd: {  	[smem:$0x3FAE] =	sst s5  }
0xe: {  	[smem:$0x3FAF] =	sst s6  }
0xf: {  	[smem:$0x3FB0] =	sst s7  }
0x10: {  	[smem:$0x3FB1] =	sst s8  }
0x11: {  	[smem:$0x3FB2] =	sst s9;
	s0 =	simm.s32 @!p0 $0x0  }
0x12: {  	s1 =	sld [smem:$0x3F98];
	s0 =	simm.s32 @p0 $0x1  }
0x13: {  	[smem:$0x3FB3] =	sst s0;
	s0 =	simm.s32 @!p1 $0x0  }
0x14: {  	s2 =	sld [smem:$0x3F97];
	s0 =	simm.s32 @p1 $0x1  }
0x15: {  	[smem:$0x3FB4] =	sst s0;
	s0 =	simm.s32 @!p2 $0x0  }
0x16: {  	s3 =	sld [smem:$0x3FDB];
	s0 =	simm.s32 @p2 $0x1  }
0x17: {  	s4 =	simm.s32 $0x1BF5;
	[smem:$0x3FB6] =	sst s0  }
0x18: {  	s0 =	sld [smem:$0x3F99];
	_ =	swait.ge [sflag:s4], $0x0  }
0x19: {  	s7 =	sld [smem:$0x3F9A]  }
0x1a: {  	s8 =	sadd.s32 $0xFFFFE003, lr  }
0x1b: {  	s9 =	sadd.s32 $0xFFFFFEF7, lr;
	s5 =	simm.s32 $0xFFFFFFFF;
	p2 =	slt.u32 s8, $0xFFFFF086  }
0x1c: {  	p1 =	slt.u32 s9, $0xF7A;
	s5 =	simm.s32 @!p2 $0x0  }
0x1d: {  	s5 =	simm.s32 @p1 $0x1;
	p0 =	seq.s32 s7, s2  }
0x1e: {  	s7 =	smul.u32 @!p0 $0xF7A, s2;
	p2 =	seq.s32 @!p0 s5, $0x0  }
0x1f: {  	s9 =	smul.u32 $0xF7A, s1;
	s8 =	simm.s32 @!p0 $0x1BF5;
	p2 =	por !p2, p0  }
0x20: {  	[sflag:s8] =	ssyncset.s32 @!p0 $0xFFFFF086;
	s6 =	sadd.s32 @!p0 s3, s7;
	s7 =	simm.s32 @!p0 $0x108  }
0x21: {  	s3 =	sadd.s32 s3, s9;
	s6 =	sadd.s32 @!p0 $0x88, s6;
	s7 =	simm.s32 @p2 $0x1082  }
0x22: {  	[simem:s7], [sflag:s8] =	dma.local @!p0 [hbm:s6], $0xF7A  }
0x23: {  	s9 =	sor.u32 $0xD0000000, s2;
	s6 =	simm.s32 $0x108;
	_ =	swait.ge @!p0 [sflag:s8], $0x0  }
0x24: {  	s3 =	sadd.s32 $0x88, s3;
	s6 =	simm.s32 @!p1 $0x1082;
	[sflag:s4] =	ssyncset.s32 $0xFFFFF086  }
0x25: {  	[simem:s6], [sflag:s4] =	dma.local [hbm:s3], $0xF7A  }
0x26: {  	[smem:$0x3F9A] =	sst s1;
	(tag) =	ssettag s2;
	_ =	strace s9  }
0x27: {  	s1 =	sld [smem:$0x3FAA]  }
0x28: {  	s2 =	sld [smem:$0x3FAB]  }
0x29: {  	s4 =	sld [smem:$0x3FAD]  }
0x2a: {  	p0 =	seq.s32 s5, $0x0;
	s5 =	sld [smem:$0x3FAE]  }
0x2b: {  	s6 =	sld [smem:$0x3FAF]  }
0x2c: {  	s7 =	sld [smem:$0x3FB0]  }
0x2d: {  	s3 =	simm.s32 $0x108;
	s8 =	sld [smem:$0x3FB1]  }
0x2e: {  	s3 =	simm.s32 @!p0 $0x1082;
	s9 =	sld [smem:$0x3FB2]  }
0x2f: {  	lr =	sadd.s32 s0, s3;
	s0 =	sld [smem:$0x3FA9]  }
0x30: {  	s3 =	sld [smem:$0x3FAC]  }
0x31: {  	[smem:$0x3FB5] =	sst s10  }
0x32: {  	s10 =	sld [smem:$0x3FB3];
	_ =	sdelay $0x3  }
0x33: {  	p0 =	seq.s32 s10, $0x1;
	s10 =	sld [smem:$0x3FB5];
	_ =	sdelay $0x3  }
0x34: {  	[smem:$0x3FB5] =	sst s10  }
0x35: {  	s10 =	sld [smem:$0x3FB4];
	_ =	sdelay $0x3  }
0x36: {  	p1 =	seq.s32 s10, $0x1;
	s10 =	sld [smem:$0x3FB5];
	_ =	sdelay $0x3  }
0x37: {  	[smem:$0x3FB5] =	sst s10  }
0x38: {  	s10 =	sld [smem:$0x3FB6]  }
0x39: {  	_ = 	snop;
	(pc) =	sbr.ind lr, $3  }
0x3a: {  	_ = 	snop  }
0x3b: {  	_ = 	snop  }
0x3c: {  	p2 =	seq.s32 s10, $0x1;
	s10 =	sld [smem:$0x3FB5]  }
0x3d: {  	_ =	shalt  }
0x3e: {  	_ =	shalt  }
0x3f: {  	_ =	shalt  }
0x40: {  	_ =	shalt  }
0x41: {  	_ =	shalt  }
0x42: {  	_ =	shalt  }
0x43: {  	_ =	shalt  }
0x44: {  	_ =	shalt  }
0x45: {  	_ =	shalt  }
0x46: {  	_ =	shalt  }
0x47: {  	_ =	shalt  }
0x48: {  	_ =	shalt  }
0x49: {  	_ =	shalt  }
0x4a: {  	_ =	shalt  }
0x4b: {  	_ =	shalt  }
0x4c: {  	_ =	shalt  }
0x4d: {  	_ =	shalt  }
0x4e: {  	_ =	shalt  }
0x4f: {  	_ =	shalt  }
0x50: {  	_ =	shalt  }
0x51: {  	_ =	shalt  }
0x52: {  	_ =	shalt  }
0x53: {  	_ =	shalt  }
0x54: {  	_ =	shalt  }
0x55: {  	_ =	shalt  }
0x56: {  	_ =	shalt  }
0x57: {  	_ =	shalt  }
0x58: {  	_ =	shalt  }
0x59: {  	_ =	shalt  }
0x5a: {  	_ =	shalt  }
0x5b: {  	_ =	shalt  }
0x5c: {  	_ =	shalt  }
0x5d: {  	_ =	shalt  }
0x5e: {  	_ =	shalt  }
0x5f: {  	_ =	shalt  }
0x60: {  	_ =	shalt  }
0x61: {  	_ =	shalt  }
0x62: {  	_ =	shalt  }
0x63: {  	_ =	shalt  }
0x64: {  	_ =	shalt  }
0x65: {  	_ =	shalt  }
0x66: {  	_ =	shalt  }
0x67: {  	_ =	shalt  }
0x68: {  	_ =	shalt  }
0x69: {  	_ =	shalt  }
0x6a: {  	_ =	shalt  }
0x6b: {  	_ =	shalt  }
0x6c: {  	_ =	shalt  }
0x6d: {  	_ =	shalt  }
0x6e: {  	_ =	shalt  }
0x6f: {  	_ =	shalt  }
0x70: {  	_ =	shalt  }
0x71: {  	_ =	shalt  }
0x72: {  	_ =	shalt  }
0x73: {  	_ =	shalt  }
0x74: {  	_ =	shalt  }
0x75: {  	_ =	shalt  }
0x76: {  	_ =	shalt  }
0x77: {  	_ =	shalt  }
0x78: {  	_ =	shalt  }
0x79: {  	_ =	shalt  }
0x7a: {  	_ =	shalt  }
0x7b: {  	_ =	shalt  }
0x7c: {  	_ =	shalt  }
0x7d: {  	_ =	shalt  }
0x7e: {  	_ =	shalt  }
0x7f: {  	_ =	shalt  }
0x80: {  	_ =	shalt  }
0x81: {  	_ =	shalt  }
0x82: {  	_ =	shalt  }
0x83: {  	_ =	shalt  }
0x84: {  	_ =	shalt  }
0x85: {  	_ =	shalt  }
0x86: {  	_ =	shalt  }
0x87: {  	_ =	shalt  }
.Lfunc_end0:
.L_simem_size_0:
called_computation_lowered:
.L_overlay_start_0:
0x88: {  	s2 =	sld [smem:$0x3FD9]  }
0x89: {  	s3 =	sld [smem:$0x3FFE];
	_ =	sdelay $0x1  }
0x8a: {  	s1 =	srdreg.scid  }
0x8b: {  	s0 =	sand.u32 $0x1, s1  }
0x8c: {  	s17 =	sshll.u32 s0, $0xA;
	s2 =	sadd.s32 s3, s2  }
0x8d: {  	s2 =	sadd.s32 s2, s17  }
0x8e: {  	[smem:$0x3FC1] =	sst s2  }
0x8f: {  	_ = 	snop  }
0x90: {  	s2 =	sld [smem:$0x3FD0];
	(tm) =	ssettm $0x1  }
0x91: {  	s18 =	sld [smem:$0x3FFB];
	_ =	sdelay $0x3  }
0x92: {  	_ =	strace s18  }
0x93: {  	s3 =	sld [smem:$0x3FFC];
	_ =	sdelay $0x3  }
0x94: {  	_ =	strace s3  }
0x95: {  	s3 =	sld [smem:$0x3FFD];
	_ =	sdelay $0x3  }
0x96: {  	_ =	strace s3  }
0x97: {  	_ =	strace $0x8FFFFFFF  }
0x98: {  	s19 =	sld [smem:$0x3FDB];
	_ =	sdelay $0x1  }
0x99: {  	s4 =	simm.s32 $_scs_section_size  }
0x9a: {  	s5 =	simm.s32 $_size__tile_overlayer_lowered;
	s6 =	simm.s32 $_tile_overlayer_lowered  }
0x9b: {  	s22 =	simm.s32 $0x1BFF;
	s21 =	sshll.u32 s6, $0x1;
	s3 =	sadd.s32 s4, s19  }
0x9c: {  	s7 =	simm.s32 $0x0;
	s20 =	sshll.u32 s5, $0x1;
	s5 =	sadd.s32 s21, s3  }
0x9d: {  	[timem:s7], [sflag:s22] =	dma.local [hbm:s5], s20  }
0x9e: {  	_ =	swait.ge [sflag:s22], s20  }
0x9f: {  	s4 =	ssub.s32 $0x0, s20;
	[sflag:s22] =	ssyncset.done $0x0  }
0xa0: {  	[sflag:s22] =	ssyncadd.s32 s4;
	_ =	sdelay $0x1  }
0xa1: {  	s23 =	simm.s32 $0x1B8B  }
0xa2: {  	_ =	swait.ge [sflag:s23], $0x1  }
0xa3: {  	[sflag:s23] =	ssyncset.done $0x0  }
0xa4: {  	s25 =	simm.s32 $0x1B8E;
	s24 =	sld [smem:$0x3FFE];
	[sflag:s23] =	ssyncadd.s32 $0xFFFFFFFF  }
0xa5: {  	s26 =	simm.s32 $execute0_lowered;
	[smem:$0x3FD2] =	sst s25  }
0xa6: {  	s5 =	sshll.u32 s26, $0x1;
	_ =	strace $0x80000046;
	[dreg:$0x1] =	wrdreg $0xFFFFFFFF  }
0xa7: {  	s28 =	simm.s32 $_size_execute0_lowered;
	s3 =	sadd.s32 s3, s5;
	[dreg:$0x0] =	wrdreg $0x0  }
0xa8: {  	s5 =	sshll.u32 s28, $0x1;
	[dreg:$0x2] =	wrdreg s3  }
0xa9: {  	[dreg:$0x3] =	wrdreg s5  }
0xaa: {  	[dreg:$0x4] =	wrdreg $0xC0  }
0xab: {  	_ =	task [dreg:s7], $0x5FFFF  }
0xac: {  	[dreg:$0x1] =	wrdreg $0xFFFFFFFF  }
0xad: {  	[dreg:$0x0] =	wrdreg $0x60  }
0xae: {  	[dreg:$0x2] =	wrdreg s24  }
0xaf: {  	[dreg:$0x3] =	wrdreg s2  }
0xb0: {  	[dreg:$0x4] =	wrdreg $0x9  }
0xb1: {  	_ =	task.clear_ibuf [dreg:s7], $0x5FFFF;
	_ =	strace $0x90000046  }
0xb2: {  	s29 =	simm.s32 $0x9;
	_ =	strace $0x80000048  }
0xb3: {  	_ =	swait.ge [sflag:s29], $0x1  }
0xb4: {  	[sflag:s29] =	ssyncadd.s32 $0xFFFFFFFF  }
0xb5: {  	_ =	strace $0x90000048  }
0xb6: {  	_ =	sfence  }
0xb7: {  	s30 =	sld [smem:$0x0];
	_ =	sdelay $0x2  }
0xb8: {  	s31 =	sshll.u32 s1, $0xD;
	s1 =	sshrl.u32 s1, $0x2  }
0xb9: {  	s3 =	sand.u32 $0x4000, s31;
	s1 =	sadd.s32 s1, s30  }
0xba: {  	s0 =	sor.u32 s3, s0;
	s1 =	sshll.u32 s1, $0x11  }
0xbb: {  	s0 =	sor.u32 s1, s0  }
0xbc: {  	s0 =	sadd.s32 $0x8F2B, s0  }
0xbd: {  	[sflag:s0] =	ssyncadd.remote.s32 $0x1  }
0xbe: {  	_ =	sfence.sel $0xFFFF  }
0xbf: {  	[dreg:$0x0] =	wrdreg $0xFFFFFFFF;
	(pc) =	sbr.abs _section_cstart, $3  }
0xc0: {  	[dreg:$0x1] =	wrdreg $0xFFFFFFFF  }
0xc1: {  	_ =	task.clear_ibuf [dreg:s7], $0x2FFFF;
	_ =	strace $0x9FFFFFFF  }
0xc2: {  	(tm) =	ssettm $0x7FFFFFFF  }
0xc3: {  	_ =	shalt  }
tec
execute0_lowered:
.L_overlay_start_1:
0x0: {  	(tag) =	ssettag $0x1  }
0x1: {  	s1 =	srdreg.scid  }
0x2: {  	s0 =	stileid.u32;
	s5 =	rddreg [dreg:$0x0]  }
0x3: {  	s11 =	simm.s32 $0x1;
	s12 =	simm.s32 $0x9E00;
	s1 =	sand.u32 $0x1, s1  }
0x4: {  	s13 =	simm.s32 $0x13C00;
	s3 =	sshll.u32 s0, $0x2;
	s2 =	sshll.u32 s1, $0x6  }
0x5: {  	s14 =	simm.s32 $0x16400;
	s15 =	simm.s32 $0x0;
	s2 =	sor.u32 s3, s2  }
0x6: {  	s6 =	sshll.u32 s0, $0x9;
	s28 =	sadd.s32 $0x29400, s5;
	s3 =	sshrl.u32 s2, $0x3  }
0x7: {  	s30 =	sadd.s32 $0x28E00, s5;
	s1 =	ssub.s32 $0x2, s1;
	s4 =	smul.u32 $0x13C00, s3  }
0x8: {  	s6 =	sand.u32 $0x200, s6;
	s29 =	sshrl.u32 s1, $0x1;
	s2 =	rddreg [dreg:$0x1]  }
0x9: {  	s1 =	ssub.s32 s1, s29;
	s3 =	simm.s32 $0x0;
	s4 =	sor.u32 s6, s4  }
0xa: {  	s8 =	smax.u32 s1, $0x1;
	[smem:$0x7FF] =	sst s3;
	s6 =	sshrl.u32 s4, $0x3  }
0xb: {  	_ =	strace $0x80000047;
	[dreg:$0x3] =	wrdreg s28;
	s7 =	sadd.s32 s6, s5  }
0xc: {  	s1 =	simm.s32 $0x200;
	[dreg:$0x4] =	wrdreg s30;
	s31 =	sadd.s32 $0x1600, s7  }
0xd: {  	v0 =	vimm.f32 $1.000000000e+00;
	s4 =	simm.s32 $0x400;
	s7 =	sadd.s32 $0x2A800, s7;
	[dreg:$0x5] =	wrdreg s31  }
.LBB2_1:
0xe: {  	s0 =	rddreg [dreg:$0x5]  }
0xf: {  	[tilespmem:s3], [sflag:$0x1] =	stream.strided.gather [hbm4b:s0+s1], $0x9E00, s4, s1, $0x38;
	[tilespmem:$0x1D980] =	vst v63  }
0x10: {  	_ =	swait.ge [sflag:s11], $0x9E00  }
0x11: {  	[sflag:s11] =	ssyncset.done $0x0  }
0x12: {  	s30 =	rddreg [dreg:$0x3];
	[sflag:s11] =	ssyncadd.s32 $0xFFFF6200  }
0x13: {  	[tilespmem:s12], [sflag:$0x1] =	stream.linear.gather [hbm4b:s30+s3], $0x9E00, $0x38;
	[tilespmem:$0x1D980] =	vst v63  }
0x14: {  	_ =	swait.ge [sflag:s11], $0x9E00  }
0x15: {  	[sflag:s11] =	ssyncset.done $0x0  }
0x16: {  	s31 =	rddreg [dreg:$0x4];
	[sflag:s11] =	ssyncadd.s32 $0xFFFF6200  }
0x17: {  	[tilespmem:s13], [sflag:$0x1] =	stream.linear.gather [hbm4b:s31+s3], $0x2800, $0x38;
	[tilespmem:$0x1D980] =	vst v63  }
0x18: {  	_ =	swait.ge [sflag:s11], $0x2800  }
0x19: {  	[sflag:s11] =	ssyncset.done $0x0  }
0x1a: {  	s16 =	simm.s32 $0x0;
	[sflag:s11] =	ssyncadd.s32 $0xFFFFD800  }
.LBB2_2:
0x1b: {  	s1 =	smul.u32 $0xEA6, s16;
	_ =	sdelay $0x1  }
0x1c: {  	s1 =	sadd.s32 s2, s1  }
0x1d: {  	[tilespmem:s14], [sflag:$0x1] =	stream.linear.gather [hbm4b:s1+s3], $0x7530, $0x38;
	[tilespmem:$0x1D980] =	vst v63  }
0x1e: {  	_ =	swait.ge [sflag:s11], $0x7530  }
0x1f: {  	[sflag:s11] =	ssyncset.done $0x0  }
0x20: {  	s17 =	simm.s32 $0xFFFFFF40;
	s18 =	simm.s32 $0x18B70;
	[sflag:s11] =	ssyncadd.s32 $0xFFFF8AD0  }
.LBB2_3:
0x21: {  	v1 =	vld [tilespmem:s18+$0xFFFFD890];
	_ =	sdelay $0x1  }
0x22: {  	v2 =	vld [tilespmem:s18+$0xFFFFFFA0]  }
0x23: {  	v50 =	vld [tilespmem:s18+$0xFFFFD8A0]  }
0x24: {  	v7 =	vld [tilespmem:s18+$0xFFFFFFB0]  }
0x25: {  	v53 =	vld [tilespmem:s18+$0x26C0];
	v3 =	vshll.u32 v1, $0x2  }
0x26: {  	v54 =	vld [tilespmem:s18+$0xFFFFD8B0];
	v1 =	vand.u32 $0x7F, v1;
	v3 =	vand.u32 $0xFFFFFE00, v3  }
0x27: {  	v55 =	vld [tilespmem:s18+$0xFFFFFFC0];
	v1 =	vor.u32 v1, v3  }
0x28: {  	v13 =	vld [tilespmem:s18+$0xFFFFD8C0]  }
0x29: {  	v5 =	vshll.u32 v2, $0x2;
	v3 =	vld [tilespmem:s18+$0x26B0]  }
0x2a: {  	v9 =	vshll.u32 v50, $0x2;
	v5 =	vand.u32 $0xFFFFFE00, v5;
	[tilespmem:v2+s13+$0x0] =	vst.idx.add.f32.msk $0xffff, v0;
	v2 =	vand.u32 $0x7F, v2  }
0x2b: {  	v15 =	vld [tilespmem:s18+$0xFFFFFFD0];
	v9 =	vand.u32 $0xFFFFFE00, v9;
	v2 =	vor.u32 v2, v5;
	v5 =	vand.u32 $0x7F, v50  }
0x2c: {  	v51 =	vor.u32 v5, v9;
	v4 =	vld.idx.msk [tilespmem:v1+s3+$0x0], $0xffff  }
0x2d: {  	v18 =	vld [tilespmem:s18+$0xFFFFD8D0]  }
0x2e: {  	v63 =	vld [tilespmem:s18+$0xFFFFFFE0]  }
0x2f: {  	v35 =	vld [tilespmem:s18+$0x26F0];
	v49 =	vor.u32 $0x80, v1  }
0x30: {  	[tilespmem:v7+s13+$0x0] =	vst.idx.add.f32.msk $0xffff, v0  }
0x31: {  	v10 =	vshll.u32 v7, $0x2;
	v9 =	vld.idx.msk [tilespmem:v51+s3+$0x0], $0xffff;
	v4 =	vmul.f32 v4, v3  }
0x32: {  	v41 =	vld [tilespmem:s18+$0xFFFFD8E0];
	v10 =	vand.u32 $0xFFFFFE00, v10;
	v7 =	vand.u32 $0x7F, v7  }
0x33: {  	v7 =	vor.u32 v7, v10;
	[tilespmem:v2+s12+$0x0] =	vst.idx.add.f32.msk $0xffff, v4  }
0x34: {  	v12 =	vor.u32 $0x80, v51;
	v4 =	vld.idx.msk [tilespmem:v49+s3+$0x0], $0xffff  }
0x35: {  	v44 =	vld [tilespmem:s18+$0xFFFFFFF0]  }
0x36: {  	v48 =	vld [tilespmem:s18+$0xFFFFD8F0];
	v6 =	vor.u32 $0x80, v2;
	v9 =	vmul.f32 v9, v53  }
0x37: {  	v58 =	vshll.u32 v13, $0x2;
	v59 =	vand.u32 $0x7F, v13;
	v13 =	vld [tilespmem:s18+$0x26E0];
	v8 =	vor.u32 $0x100, v1  }
0x38: {  	[tilespmem:v7+s12+$0x0] =	vst.idx.add.f32.msk $0xffff, v9  }
0x39: {  	v57 =	vld.idx.msk [tilespmem:v12+s3+$0x0], $0xffff;
	v4 =	vmul.f32 v4, v3  }
0x3a: {  	[tilespmem:v15+s13+$0x0] =	vst.idx.add.f32.msk $0xffff, v0  }
0x3b: {  	v61 =	vor.u32 $0x80, v7;
	[tilespmem:v6+s12+$0x0] =	vst.idx.add.f32.msk $0xffff, v4  }
0x3c: {  	v14 =	vshll.u32 v54, $0x2;
	v17 =	vor.u32 $0x100, v51;
	v52 =	vld.idx.msk [tilespmem:v8+s3+$0x0], $0xffff  }
0x3d: {  	v14 =	vand.u32 $0xFFFFFE00, v14;
	[tilespmem:v63+s13+$0x0] =	vst.idx.add.f32.msk $0xffff, v0;
	v8 =	vand.u32 $0x7F, v54  }
0x3e: {  	v11 =	vor.u32 $0x100, v2;
	v9 =	vld [tilespmem:s18+$0x26D0];
	v56 =	vor.u32 v8, v14;
	v8 =	vmul.f32 v57, v53  }
0x3f: {  	v16 =	vshll.u32 v55, $0x2;
	v29 =	vshll.u32 v18, $0x2;
	[tilespmem:v55+s13+$0x0] =	vst.idx.add.f32.msk $0xffff, v0  }
0x40: {  	v31 =	vand.u32 $0x7F, v18;
	v16 =	vand.u32 $0xFFFFFE00, v16;
	v10 =	vand.u32 $0x7F, v55;
	[tilespmem:v61+s12+$0x0] =	vst.idx.add.f32.msk $0xffff, v8  }
0x41: {  	v1 =	vor.u32 $0x180, v1;
	v14 =	vld.idx.msk [tilespmem:v17+s3+$0x0], $0xffff;
	v17 =	vand.u32 $0xFFFFFE00, v29;
	v5 =	vmul.f32 v52, v3  }
0x42: {  	v10 =	vor.u32 v10, v16;
	v55 =	vld [tilespmem:s18+$0xFFFFD900];
	v16 =	vor.u32 v31, v17  }
0x43: {  	s17 =	sadd.s32 $0xC0, s17;
	v33 =	vor.u32 $0x100, v7;
	[tilespmem:v11+s12+$0x0] =	vst.idx.add.f32.msk $0xffff, v5;
	v11 =	vand.u32 $0xFFFFFE00, v58  }
0x44: {  	s1 =	sand.u32 $0x3FC0, s17;
	v60 =	vld.idx.msk [tilespmem:v56+s3+$0x0], $0xffff;
	v11 =	vor.u32 v59, v11  }
0x45: {  	v4 =	vor.u32 $0x180, v51;
	v58 =	vld [tilespmem:s1+$0x18B80]  }
0x46: {  	v1 =	vld.idx.msk [tilespmem:v1+s3+$0x0], $0xffff;
	v14 =	vmul.f32 v14, v53  }
0x47: {  	v20 =	vor.u32 $0x80, v56;
	v23 =	vld.idx.msk [tilespmem:v16+s3+$0x0], $0xffff  }
0x48: {  	v19 =	vshll.u32 v15, $0x2;
	v24 =	vshll.u32 v63, $0x2;
	v2 =	vor.u32 $0x180, v2;
	[tilespmem:v33+s12+$0x0] =	vst.idx.add.f32.msk $0xffff, v14  }
0x49: {  	v37 =	vand.u32 $0x7F, v63;
	v38 =	vand.u32 $0xFFFFFE00, v24;
	v27 =	vmul.f32 v60, v9;
	v62 =	vld.idx.msk [tilespmem:v11+s3+$0x0], $0xffff  }
0x4a: {  	v19 =	vand.u32 $0xFFFFFE00, v19;
	v15 =	vand.u32 $0x7F, v15;
	v17 =	vor.u32 v37, v38;
	v4 =	vld.idx.msk [tilespmem:v4+s3+$0x0], $0xffff  }
0x4b: {  	v15 =	vor.u32 v15, v19;
	[tilespmem:v10+s12+$0x0] =	vst.idx.add.f32.msk $0xffff, v27;
	v1 =	vmul.f32 v1, v3  }
0x4c: {  	v28 =	vor.u32 $0x80, v11;
	v32 =	vld.idx.msk [tilespmem:v20+s3+$0x0], $0xffff  }
0x4d: {  	v40 =	vmul.f32 v23, v35;
	[tilespmem:v2+s12+$0x0] =	vst.idx.add.f32.msk $0xffff, v1  }
0x4e: {  	v34 =	vor.u32 $0x80, v10;
	v23 =	vld [tilespmem:s18+$0x2740];
	v30 =	vmul.f32 v62, v13  }
0x4f: {  	v21 =	vor.u32 $0x100, v56;
	[tilespmem:v17+s12+$0x0] =	vst.idx.add.f32.msk $0xffff, v40  }
0x50: {  	[tilespmem:v15+s12+$0x0] =	vst.idx.add.f32.msk $0xffff, v30  }
0x51: {  	v18 =	vmul.f32 v32, v9;
	v8 =	vld.idx.msk [tilespmem:v28+s3+$0x0], $0xffff  }
0x52: {  	v7 =	vor.u32 $0x180, v7;
	v4 =	vmul.f32 v4, v53;
	v53 =	vld [tilespmem:s18+$0x0]  }
0x53: {  	v22 =	vor.u32 $0x80, v15;
	[tilespmem:v34+s12+$0x0] =	vst.idx.add.f32.msk $0xffff, v18  }
0x54: {  	v39 =	vor.u32 $0x80, v16;
	v18 =	vld.idx.msk [tilespmem:v21+s3+$0x0], $0xffff  }
0x55: {  	v42 =	vor.u32 $0x80, v17;
	v49 =	vor.u32 $0x100, v17;
	v36 =	vor.u32 $0x100, v11;
	v40 =	vld [tilespmem:s1+$0x16480]  }
0x56: {  	v26 =	vor.u32 $0x180, v17;
	v3 =	vor.u32 $0x100, v10;
	v17 =	vld [tilespmem:s18+$0x2730];
	v8 =	vmul.f32 v8, v13  }
0x57: {  	v5 =	vor.u32 $0x180, v56;
	[tilespmem:v7+s12+$0x0] =	vst.idx.add.f32.msk $0xffff, v4  }
0x58: {  	[tilespmem:v22+s12+$0x0] =	vst.idx.add.f32.msk $0xffff, v8  }
0x59: {  	v2 =	vmul.f32 v18, v9;
	v8 =	vld.idx.msk [tilespmem:v39+s3+$0x0], $0xffff  }
0x5a: {  	v14 =	vld.idx.msk [tilespmem:v36+s3+$0x0], $0xffff  }
0x5b: {  	[tilespmem:v3+s12+$0x0] =	vst.idx.add.f32.msk $0xffff, v2  }
0x5c: {  	v57 =	vshll.u32 v48, $0x2;
	v45 =	vld.idx.msk [tilespmem:v5+s3+$0x0], $0xffff  }
0x5d: {  	v4 =	vand.u32 $0xFFFFFE00, v57;
	v5 =	vand.u32 $0x7F, v48;
	v48 =	vld [tilespmem:s18+$0x40]  }
0x5e: {  	v6 =	vor.u32 v5, v4;
	v4 =	vld [tilespmem:s1+$0x1B280]  }
0x5f: {  	[tilespmem:v53+s13+$0x0] =	vst.idx.add.f32.msk $0xffff, v0  }
0x60: {  	v1 =	vor.u32 $0x100, v15;
	v5 =	vld [tilespmem:s18+$0x2720];
	v3 =	vmul.f32 v8, v35  }
0x61: {  	[tilespmem:v58+s13+$0x0] =	vst.idx.add.f32.msk $0xffff, v0  }
0x62: {  	[tilespmem:v42+s12+$0x0] =	vst.idx.add.f32.msk $0xffff, v3  }
0x63: {  	v2 =	vmul.f32 v14, v13;
	v42 =	vld [tilespmem:s18+$0xFFFFD920]  }
0x64: {  	v43 =	vor.u32 $0x100, v16;
	v9 =	vmul.f32 v45, v9;
	v45 =	vld [tilespmem:s18+$0x30]  }
0x65: {  	[tilespmem:v1+s12+$0x0] =	vst.idx.add.f32.msk $0xffff, v2  }
0x66: {  	v47 =	vor.u32 $0x180, v11;
	v61 =	vld.idx.msk [tilespmem:v6+s3+$0x0], $0xffff  }
0x67: {  	v46 =	vshll.u32 v41, $0x2;
	v1 =	vand.u32 $0x7F, v41;
	v41 =	vld [tilespmem:s18+$0x20]  }
0x68: {  	v10 =	vor.u32 $0x180, v10;
	v2 =	vand.u32 $0xFFFFFE00, v46;
	v46 =	vld [tilespmem:s18+$0xFFFFD930]  }
0x69: {  	v3 =	vor.u32 v1, v2;
	v2 =	vld.idx.msk [tilespmem:v43+s3+$0x0], $0xffff  }
0x6a: {  	v1 =	vld [tilespmem:s18+$0x2700]  }
0x6b: {  	v56 =	vld.idx.msk [tilespmem:v47+s3+$0x0], $0xffff  }
0x6c: {  	v52 =	vor.u32 $0x180, v16;
	[tilespmem:v44+s13+$0x0] =	vst.idx.add.f32.msk $0xffff, v0  }
0x6d: {  	v15 =	vor.u32 $0x180, v15;
	[tilespmem:v10+s12+$0x0] =	vst.idx.add.f32.msk $0xffff, v9  }
0x6e: {  	v51 =	vshll.u32 v44, $0x2;
	v50 =	vld.idx.msk [tilespmem:v3+s3+$0x0], $0xffff;
	v54 =	vmul.f32 v2, v35  }
0x6f: {  	v12 =	vand.u32 $0x7F, v44;
	v8 =	vand.u32 $0xFFFFFE00, v51;
	[tilespmem:v45+s13+$0x0] =	vst.idx.add.f32.msk $0xffff, v0  }
0x70: {  	v2 =	vor.u32 v12, v8;
	v12 =	vmul.f32 v56, v13;
	[tilespmem:v49+s12+$0x0] =	vst.idx.add.f32.msk $0xffff, v54  }
0x71: {  	v11 =	vld.idx.msk [tilespmem:v52+s3+$0x0], $0xffff  }
0x72: {  	v59 =	vor.u32 $0x80, v3;
	[tilespmem:v15+s12+$0x0] =	vst.idx.add.f32.msk $0xffff, v12  }
0x73: {  	v49 =	vld [tilespmem:s18+$0xFFFFD940];
	v7 =	vmul.f32 v50, v1  }
0x74: {  	v60 =	vshll.u32 v55, $0x2;
	v62 =	vshll.u32 v53, $0x2;
	[tilespmem:v41+s13+$0x0] =	vst.idx.add.f32.msk $0xffff, v0  }
0x75: {  	v24 =	vand.u32 $0x7F, v53;
	v8 =	vand.u32 $0x7F, v55;
	[tilespmem:v2+s12+$0x0] =	vst.idx.add.f32.msk $0xffff, v7;
	v7 =	vand.u32 $0xFFFFFE00, v60  }
0x76: {  	v52 =	vld [tilespmem:s18+$0x50];
	v8 =	vor.u32 v8, v7;
	v7 =	vand.u32 $0xFFFFFE00, v62;
	v11 =	vmul.f32 v11, v35  }
0x77: {  	v25 =	vor.u32 $0x80, v6;
	v63 =	vld.idx.msk [tilespmem:v59+s3+$0x0], $0xffff;
	v7 =	vor.u32 v24, v7  }
0x78: {  	v47 =	vshll.u32 v42, $0x2;
	v14 =	vand.u32 $0x7F, v42;
	v30 =	vmul.f32 v61, v4;
	[tilespmem:v26+s12+$0x0] =	vst.idx.add.f32.msk $0xffff, v11  }
0x79: {  	v18 =	vand.u32 $0xFFFFFE00, v47;
	v51 =	vshll.u32 v46, $0x2;
	v27 =	vor.u32 $0x80, v2;
	v26 =	vld [tilespmem:s18+$0x2750]  }
0x7a: {  	v14 =	vor.u32 v14, v18;
	v21 =	vand.u32 $0xFFFFFE00, v51;
	v15 =	vand.u32 $0x7F, v46;
	[tilespmem:v48+s13+$0x0] =	vst.idx.add.f32.msk $0xffff, v0  }
0x7b: {  	v29 =	vshll.u32 v58, $0x2;
	v31 =	vand.u32 $0x7F, v58;
	v15 =	vor.u32 v15, v21;
	v28 =	vld.idx.msk [tilespmem:v8+s3+$0x0], $0xffff  }
0x7c: {  	v32 =	vand.u32 $0xFFFFFE00, v29;
	v35 =	vor.u32 $0x100, v3;
	v34 =	vmul.f32 v63, v1;
	[tilespmem:v7+s12+$0x0] =	vst.idx.add.f32.msk $0xffff, v30  }
0x7d: {  	v9 =	vor.u32 v31, v32;
	v13 =	vld.idx.msk [tilespmem:v25+s3+$0x0], $0xffff  }
0x7e: {  	v33 =	vor.u32 $0x80, v8;
	[tilespmem:v27+s12+$0x0] =	vst.idx.add.f32.msk $0xffff, v34  }
0x7f: {  	v53 =	vshll.u32 v49, $0x2;
	v25 =	vld.idx.msk [tilespmem:v14+s3+$0x0], $0xffff  }
0x80: {  	v20 =	vand.u32 $0x7F, v49;
	v21 =	vand.u32 $0xFFFFFE00, v53;
	v27 =	vld.idx.msk [tilespmem:v15+s3+$0x0], $0xffff;
	v36 =	vmul.f32 v28, v5  }
0x81: {  	v57 =	vshll.u32 v48, $0x2;
	v55 =	vshll.u32 v45, $0x2;
	v20 =	vor.u32 v20, v21;
	v11 =	vld.idx.msk [tilespmem:v35+s3+$0x0], $0xffff  }
0x82: {  	v16 =	vand.u32 $0x7F, v45;
	v21 =	vand.u32 $0xFFFFFE00, v55;
	v37 =	vor.u32 $0x80, v7;
	[tilespmem:v9+s12+$0x0] =	vst.idx.add.f32.msk $0xffff, v36  }
0x83: {  	v19 =	vand.u32 $0x7F, v48;
	v16 =	vor.u32 v16, v21;
	v21 =	vand.u32 $0xFFFFFE00, v57;
	v10 =	vld.idx.msk [tilespmem:v33+s3+$0x0], $0xffff  }
0x84: {  	v19 =	vor.u32 v19, v21;
	v28 =	vld [tilespmem:s18+$0x2760]  }
0x85: {  	v39 =	vor.u32 $0x80, v9;
	[tilespmem:v52+s13+$0x0] =	vst.idx.add.f32.msk $0xffff, v0;
	v13 =	vmul.f32 v13, v4  }
0x86: {  	v29 =	vor.u32 $0x80, v14;
	v42 =	vor.u32 $0x100, v2;
	v58 =	vld.idx.msk [tilespmem:v20+s3+$0x0], $0xffff;
	v25 =	vmul.f32 v25, v23  }
0x87: {  	v22 =	vand.u32 $0x7F, v52;
	v30 =	vshll.u32 v52, $0x2;
	v60 =	vmul.f32 v27, v26;
	[tilespmem:v37+s12+$0x0] =	vst.idx.add.f32.msk $0xffff, v13  }
0x88: {  	v3 =	vor.u32 $0x180, v3;
	v30 =	vand.u32 $0xFFFFFE00, v30;
	[tilespmem:v16+s12+$0x0] =	vst.idx.add.f32.msk $0xffff, v25;
	v10 =	vmul.f32 v10, v5  }
0x89: {  	v43 =	vshll.u32 v40, $0x2;
	v44 =	vand.u32 $0x7F, v40;
	v22 =	vor.u32 v22, v30;
	[tilespmem:v19+s12+$0x0] =	vst.idx.add.f32.msk $0xffff, v60  }
0x8a: {  	v61 =	vor.u32 $0x80, v20;
	v11 =	vmul.f32 v11, v1;
	[tilespmem:v39+s12+$0x0] =	vst.idx.add.f32.msk $0xffff, v10;
	v10 =	vand.u32 $0xFFFFFE00, v43  }
0x8b: {  	v29 =	vld.idx.msk [tilespmem:v29+s3+$0x0], $0xffff;
	v10 =	vor.u32 v44, v10  }
0x8c: {  	v38 =	vor.u32 $0x100, v6;
	[tilespmem:v42+s12+$0x0] =	vst.idx.add.f32.msk $0xffff, v11;
	v21 =	vmul.f32 v58, v28  }
0x8d: {  	v62 =	vor.u32 $0x100, v8;
	v3 =	vld.idx.msk [tilespmem:v3+s3+$0x0], $0xffff  }
0x8e: {  	v32 =	vor.u32 $0x80, v16;
	[tilespmem:v22+s12+$0x0] =	vst.idx.add.f32.msk $0xffff, v21  }
0x8f: {  	v54 =	vshll.u32 v41, $0x2;
	v33 =	vor.u32 $0x100, v14;
	v27 =	vld.idx.msk [tilespmem:v61+s3+$0x0], $0xffff  }
0x90: {  	v2 =	vor.u32 $0x180, v2;
	v24 =	vand.u32 $0xFFFFFE00, v54;
	v50 =	vld.idx.msk [tilespmem:v10+s3+$0x0], $0xffff  }
0x91: {  	v13 =	vand.u32 $0x7F, v41;
	v12 =	vld.idx.msk [tilespmem:v38+s3+$0x0], $0xffff;
	v38 =	vmul.f32 v29, v23;
	v39 =	vor.u32 $0x80, v22  }
0x92: {  	v13 =	vor.u32 v13, v24;
	v30 =	vld.idx.msk [tilespmem:v62+s3+$0x0], $0xffff  }
0x93: {  	v1 =	vmul.f32 v3, v1;
	v56 =	vor.u32 $0x80, v10;
	[tilespmem:v32+s12+$0x0] =	vst.idx.add.f32.msk $0xffff, v38  }
0x94: {  	v44 =	vor.u32 $0x100, v7;
	v45 =	vld.idx.msk [tilespmem:v33+s3+$0x0], $0xffff;
	v43 =	vmul.f32 v27, v28  }
0x95: {  	v59 =	vor.u32 $0x80, v15;
	[tilespmem:v2+s12+$0x0] =	vst.idx.add.f32.msk $0xffff, v1;
	v18 =	vmul.f32 v50, v17  }
0x96: {  	v41 =	vor.u32 $0x100, v20;
	[tilespmem:v39+s12+$0x0] =	vst.idx.add.f32.msk $0xffff, v43  }
0x97: {  	v6 =	vor.u32 $0x180, v6;
	v12 =	vmul.f32 v12, v4;
	[tilespmem:v13+s12+$0x0] =	vst.idx.add.f32.msk $0xffff, v18  }
0x98: {  	v49 =	vor.u32 $0x100, v16;
	v24 =	vld.idx.msk [tilespmem:v56+s3+$0x0], $0xffff  }
0x99: {  	v57 =	vor.u32 $0x180, v14;
	[tilespmem:v44+s12+$0x0] =	vst.idx.add.f32.msk $0xffff, v12  }
0x9a: {  	v31 =	vor.u32 $0x80, v13;
	v18 =	vld.idx.msk [tilespmem:v59+s3+$0x0], $0xffff  }
0x9b: {  	v63 =	vor.u32 $0x100, v10;
	v21 =	vld.idx.msk [tilespmem:v41+s3+$0x0], $0xffff;
	v54 =	vmul.f32 v45, v23  }
0x9c: {  	v37 =	vor.u32 $0x80, v19;
	v6 =	vld.idx.msk [tilespmem:v6+s3+$0x0], $0xffff  }
0x9d: {  	v40 =	vor.u32 $0x100, v15;
	[tilespmem:v49+s12+$0x0] =	vst.idx.add.f32.msk $0xffff, v54;
	v36 =	vmul.f32 v24, v17  }
0x9e: {  	v46 =	vor.u32 $0x100, v9;
	v11 =	vld.idx.msk [tilespmem:v57+s3+$0x0], $0xffff  }
0x9f: {  	v8 =	vor.u32 $0x180, v8;
	v18 =	vmul.f32 v18, v26;
	[tilespmem:v31+s12+$0x0] =	vst.idx.add.f32.msk $0xffff, v36  }
0xa0: {  	v53 =	vor.u32 $0x100, v22;
	v25 =	vld.idx.msk [tilespmem:v63+s3+$0x0], $0xffff  }
0xa1: {  	v50 =	vmul.f32 v30, v5;
	v59 =	vor.u32 $0x180, v20;
	[tilespmem:v37+s12+$0x0] =	vst.idx.add.f32.msk $0xffff, v18  }
0xa2: {  	v47 =	vor.u32 $0x100, v13;
	v48 =	vld.idx.msk [tilespmem:v40+s3+$0x0], $0xffff  }
0xa3: {  	v10 =	vor.u32 $0x180, v10;
	[tilespmem:v46+s12+$0x0] =	vst.idx.add.f32.msk $0xffff, v50;
	v56 =	vmul.f32 v21, v28  }
0xa4: {  	v51 =	vor.u32 $0x100, v19;
	v8 =	vld.idx.msk [tilespmem:v8+s3+$0x0], $0xffff  }
0xa5: {  	v58 =	vor.u32 $0x180, v15;
	[tilespmem:v53+s12+$0x0] =	vst.idx.add.f32.msk $0xffff, v56;
	v52 =	vmul.f32 v25, v17  }
0xa6: {  	v61 =	vld.idx.msk [tilespmem:v59+s3+$0x0], $0xffff  }
0xa7: {  	v9 =	vor.u32 $0x180, v9;
	v55 =	vmul.f32 v48, v26;
	[tilespmem:v47+s12+$0x0] =	vst.idx.add.f32.msk $0xffff, v52  }
0xa8: {  	v7 =	vor.u32 $0x180, v7;
	v10 =	vld.idx.msk [tilespmem:v10+s3+$0x0], $0xffff  }
0xa9: {  	v60 =	vor.u32 $0x180, v16;
	[tilespmem:v51+s12+$0x0] =	vst.idx.add.f32.msk $0xffff, v55  }
0xaa: {  	v3 =	vor.u32 $0x180, v13;
	v1 =	vmul.f32 v8, v5;
	v12 =	vld.idx.msk [tilespmem:v58+s3+$0x0], $0xffff  }
0xab: {  	v4 =	vmul.f32 v6, v4;
	v63 =	vor.u32 $0x180, v22  }
0xac: {  	p0 =	slt.u32 s17, $0x2640;
	v2 =	vor.u32 $0x180, v19;
	[tilespmem:v9+s12+$0x0] =	vst.idx.add.f32.msk $0xffff, v1;
	v1 =	vmul.f32 v11, v23  }
.Ltmp0:
0xad: {  	[tilespmem:v7+s12+$0x0] =	vst.idx.add.f32.msk $0xffff, v4;
	v62 =	vmul.f32 v10, v17;
	(pc) =	sbr.rel @p0 .LBB2_3-.Ltmp0, $4  }
0xae: {  	[tilespmem:v60+s12+$0x0] =	vst.idx.add.f32.msk $0xffff, v1;
	v1 =	vmul.f32 v61, v28  }
0xaf: {  	[tilespmem:v3+s12+$0x0] =	vst.idx.add.f32.msk $0xffff, v62;
	v3 =	vmul.f32 v12, v26  }
0xb0: {  	[tilespmem:v63+s12+$0x0] =	vst.idx.add.f32.msk $0xffff, v1  }
0xb1: {  	s18 =	sadd.s32 $0xC0, s18;
	[tilespmem:v2+s12+$0x0] =	vst.idx.add.f32.msk $0xffff, v3  }
0xb2: {  	v1 =	vld [tilespmem:$0x18B00];
	_ =	sdelay $0x2  }
0xb3: {  	v2 =	vld [tilespmem:$0x1B210];
	_ =	sdelay $0x1  }
0xb4: {  	v3 =	vshll.u32 v1, $0x2  }
0xb5: {  	v1 =	vand.u32 $0x7F, v1;
	v3 =	vand.u32 $0xFFFFFE00, v3  }
0xb6: {  	v1 =	vor.u32 v1, v3;
	_ =	sdelay $0x2  }
0xb7: {  	v3 =	vld [tilespmem:$0x1D920]  }
0xb8: {  	s1 =	simm.s32 $0x0;
	[tilespmem:v2+s13+$0x0] =	vst.idx.add.f32.msk $0xffff, v0  }
0xb9: {  	v5 =	vshll.u32 v2, $0x2;
	v4 =	vld.idx.msk [tilespmem:v1+s1+$0x0], $0xffff  }
0xba: {  	v5 =	vand.u32 $0xFFFFFE00, v5;
	v2 =	vand.u32 $0x7F, v2  }
0xbb: {  	v2 =	vor.u32 v2, v5  }
0xbc: {  	v61 =	vor.u32 $0x80, v1;
	_ =	sdelay $0x1  }
0xbd: {  	v4 =	vmul.f32 v4, v3;
	_ =	sdelay $0x1  }
0xbe: {  	[tilespmem:v2+s12+$0x0] =	vst.idx.add.f32.msk $0xffff, v4  }
0xbf: {  	v4 =	vld.idx.msk [tilespmem:v61+s1+$0x0], $0xffff;
	_ =	sdelay $0x1  }
0xc0: {  	v62 =	vor.u32 $0x80, v2  }
0xc1: {  	v6 =	vor.u32 $0x100, v1;
	_ =	sdelay $0x1  }
0xc2: {  	v4 =	vmul.f32 v4, v3;
	_ =	sdelay $0x1  }
0xc3: {  	[tilespmem:v62+s12+$0x0] =	vst.idx.add.f32.msk $0xffff, v4  }
0xc4: {  	v4 =	vld.idx.msk [tilespmem:v6+s1+$0x0], $0xffff;
	_ =	sdelay $0x1  }
0xc5: {  	v63 =	vor.u32 $0x100, v2  }
0xc6: {  	v1 =	vor.u32 $0x180, v1;
	_ =	sdelay $0x1  }
0xc7: {  	v4 =	vmul.f32 v4, v3;
	_ =	sdelay $0x1  }
0xc8: {  	[tilespmem:v63+s12+$0x0] =	vst.idx.add.f32.msk $0xffff, v4  }
0xc9: {  	v1 =	vld.idx.msk [tilespmem:v1+s1+$0x0], $0xffff  }
0xca: {  	s16 =	sadd.s32 $0x1, s16  }
0xcb: {  	p0 =	sne.s32 s16, $0x20;
	v2 =	vor.u32 $0x180, v2  }
.Ltmp1:
0xcc: {  	_ = 	snop;
	(pc) =	sbr.rel @p0 .LBB2_2-.Ltmp1, $3  }
0xcd: {  	_ = 	snop  }
0xce: {  	v1 =	vmul.f32 v1, v3;
	_ =	sdelay $0x1  }
0xcf: {  	[tilespmem:v2+s12+$0x0] =	vst.idx.add.f32.msk $0xffff, v1  }
0xd0: {  	s16 =	simm.s32 $0x0  }
0xd1: {  	s18 =	sand.u32 $0x40, s16;
	s16 =	sand.u32 $0x3F80, s16  }
0xd2: {  	s16 =	sadd.s32 $0x13C00, s16;
	s17 =	sor.u32 $0x30, s18  }
0xd3: {  	s19 =	sor.u32 s17, s16  }
0xd4: {  	v1 =	vld [tilespmem:s19+$0x0];
	_ =	sdelay $0x3  }
0xd5: {  	s31 =	sor.u32 $0x10, s18  }
0xd6: {  	s20 =	sor.u32 s31, s16;
	(erf) = vrcp.f32 v1  }
0xd7: {  	s21 =	sor.u32 $0x20, s18;
	v2 =	vld [tilespmem:s20+$0x0]  }
0xd8: {  	s16 =	sor.u32 s21, s16  }
0xd9: {  	s1 =	sand.u32 $0xFE00, s1;
	v3 =	vld [tilespmem:s16+$0x0]  }
0xda: {  	s1 =	sadd.s32 $0x9E00, s1  }
0xdb: {  	s4 =	sor.u32 s17, s1  }
0xdc: {  	v5 =	vld [tilespmem:s4+$0x0];
	(erf) = vrcp.f32 v2  }
0xdd: {  	s0 =	simm.s32 $0x0  }
0xde: {  	v4 =	vld [tilespmem:s0+$0x13C00];
	(erf) = vrcp.f32 v3  }
0xdf: {  	v6 =	vld [tilespmem:s4+$0x80];
	vm0 =	vgt.f32 v1, $0.0e+00;
	v1 =	vpop (erf)  }
0xe0: {  	s21 =	sor.u32 s21, s1;
	v9 =	vnsel vm0, $0x0, v1  }
0xe1: {  	p0 =	por $0x0, $0x0;
	s17 =	simm.s32 $0x1;
	s19 =	sor.u32 s31, s1;
	v10 =	vld [tilespmem:s21+$0x80];
	v1 =	vmul.f32 v9, v5  }
0xe2: {  	s16 =	simm.s32 $0x40;
	s17 =	simm.s32 @!p0 $0x0;
	s1 =	sor.u32 s18, s1;
	v7 =	vld [tilespmem:s19+$0x0]  }
0xe3: {  	v8 =	vld [tilespmem:s19+$0x80];
	s22 =	sand.u32 $0x40, s16;
	s23 =	sand.u32 $0x3F80, s16;
	s17 =	sshll.u32 s17, $0x6;
	(erf) = vrcp.f32 v4  }
0xe4: {  	s23 =	sadd.s32 $0x13C00, s23;
	s24 =	sor.u32 $0x30, s22;
	s17 =	sadd.s32 $0x0, s17;
	v5 =	vld [tilespmem:s21+$0x0];
	v6 =	vmul.f32 v6, v9  }
0xe5: {  	v12 =	vld [tilespmem:s1+$0x0];
	s25 =	sor.u32 s24, s23;
	s26 =	sadd.s32 $0x30, s17;
	vm0 =	vgt.f32 v2, $0.0e+00;
	[tilespmem:s4+$0x0] =	vst v1;
	v1 =	vpop (erf)  }
0xe6: {  	v11 =	vld [tilespmem:s25+$0x0];
	s5 =	sor.u32 $0x100, s26;
	[tilespmem:s4+$0x80] =	vst v6;
	v2 =	vnsel vm0, $0x0, v1  }
0xe7: {  	s6 =	sor.u32 $0x10, s22;
	v6 =	vld [tilespmem:s5+$0x9E00];
	vm0 =	vgt.f32 v3, $0.0e+00;
	v1 =	vpop (erf);
	v3 =	vmul.f32 v2, v7  }
0xe8: {  	s28 =	sor.u32 $0x20, s22;
	s10 =	sor.u32 s6, s23;
	v1 =	vnsel vm0, $0x0, v1;
	v7 =	vld [tilespmem:s1+$0x80];
	v8 =	vmul.f32 v8, v2  }
0xe9: {  	s23 =	sor.u32 s28, s23;
	[tilespmem:s19+$0x0] =	vst v3;
	v3 =	vmul.f32 v1, v5;
	v5 =	vld [tilespmem:s10+$0x0]  }
0xea: {  	vm0 =	vgt.f32 v4, $0.0e+00;
	v4 =	vmul.f32 v10, v1;
	v10 =	vld [tilespmem:s23+$0x0]  }
0xeb: {  	s29 =	sadd.s32 $0x10, s17;
	[tilespmem:s19+$0x80] =	vst v8  }
0xec: {  	s30 =	sadd.s32 $0x20, s17;
	s31 =	sor.u32 $0x100, s29;
	v6 =	vmul.f32 v6, v9;
	[tilespmem:s21+$0x80] =	vst v4;
	v8 =	vpop (erf);
	(erf) = vrcp.f32 v11  }
0xed: {  	s20 =	simm.s32 $0x100;
	s0 =	sor.u32 $0x100, s30;
	[tilespmem:s21+$0x0] =	vst v3;
	v3 =	vnsel vm0, $0x0, v8;
	v8 =	vld [tilespmem:s31+$0x9E00]  }
0xee: {  	s23 =	sor.u32 $0x180, s26;
	s26 =	sand.u32 $0xFE00, s20;
	[tilespmem:s5+$0x9E00] =	vst v6;
	v63 =	vld [tilespmem:s0+$0x9E00];
	v4 =	vmul.f32 v3, v12;
	(erf) = vrcp.f32 v5  }
0xef: {  	s25 =	simm.s32 $0x40;
	s9 =	sadd.s32 $0x9E00, s26;
	v13 =	vld [tilespmem:s23+$0x9E00];
	v7 =	vmul.f32 v7, v3;
	(erf) = vrcp.f32 v10  }
0xf0: {  	v14 =	vld [tilespmem:s25+$0x13C00];
	s26 =	sor.u32 s24, s9;
	[tilespmem:s1+$0x0] =	vst v4  }
0xf1: {  	s21 =	sor.u32 $0x100, s17;
	v6 =	vld [tilespmem:s26+$0x80];
	[tilespmem:s1+$0x80] =	vst v7  }
0xf2: {  	v4 =	vld [tilespmem:s21+$0x9E00];
	v8 =	vmul.f32 v8, v2  }
0xf3: {  	s25 =	sor.u32 s6, s9;
	v7 =	vld [tilespmem:s26+$0x0];
	v12 =	vmul.f32 v63, v1  }
0xf4: {  	p0 =	por !p0, !p0;
	s18 =	sor.u32 $0x180, s30;
	vm3 =	vgt.f32 v11, $0.0e+00;
	s19 =	sor.u32 $0x180, s29;
	vm2 =	vgt.f32 v5, $0.0e+00;
	v5 =	vmul.f32 v13, v9;
	v9 =	vld [tilespmem:s25+$0x80];
	[tilespmem:s31+$0x9E00] =	vst v8  }
0xf5: {  	vm1 =	vgt.f32 v14, $0.0e+00;
	s24 =	sor.u32 s28, s9;
	s22 =	sor.u32 s22, s9;
	s17 =	sor.u32 $0x180, s17;
	vm0 =	vgt.f32 v10, $0.0e+00;
	(erf) = vrcp.f32 v14;
	v8 =	vld [tilespmem:s25+$0x0];
	[tilespmem:s0+$0x9E00] =	vst v12;
	v10 =	vpop (erf)  }
.LBB2_6:
0xf6: {  	s0 =	simm.s32 $0x1  }
0xf7: {  	s16 =	sadd.s32 $0x40, s16;
	v11 =	vld [tilespmem:s24+$0x0];
	v10 =	vnsel vm3, $0x0, v10;
	v12 =	vpop (erf);
	v4 =	vmul.f32 v4, v3;
	[tilespmem:s23+$0x9E00] =	vst v5;
	s0 =	simm.s32 @!p0 $0x0  }
0xf8: {  	s28 =	sand.u32 $0x40, s16;
	s1 =	sand.u32 $0x3F80, s16;
	v5 =	vnsel vm2, $0x0, v12;
	v7 =	vmul.f32 v10, v7;
	s0 =	sshll.u32 s0, $0x6;
	v12 =	vld [tilespmem:s24+$0x80];
	v13 =	vpop (erf)  }
0xf9: {  	s9 =	sadd.s32 $0x13C00, s1;
	s29 =	sor.u32 $0x30, s28;
	v6 =	vmul.f32 v6, v10;
	s0 =	sadd.s32 s0, s20;
	v14 =	vld [tilespmem:s22+$0x0];
	v13 =	vnsel vm0, $0x0, v13;
	[tilespmem:s21+$0x9E00] =	vst v4  }
0xfa: {  	s31 =	sor.u32 $0x10, s28;
	s21 =	sor.u32 s29, s9;
	v8 =	vmul.f32 v5, v8;
	v4 =	vld [tilespmem:s22+$0x80];
	[tilespmem:s26+$0x0] =	vst v7;
	s23 =	sadd.s32 $0x30, s0  }
0xfb: {  	s1 =	sor.u32 $0x20, s28;
	s30 =	sor.u32 s31, s9;
	v7 =	vmul.f32 v9, v5;
	v15 =	vld [tilespmem:s21+$0x0];
	[tilespmem:s26+$0x80] =	vst v6;
	s26 =	sor.u32 $0x100, s23  }
0xfc: {  	s9 =	sor.u32 s1, s9;
	s10 =	sadd.s32 $0x10, s0;
	s4 =	sadd.s32 $0x20, s0;
	v6 =	vmul.f32 v13, v11;
	[tilespmem:s25+$0x0] =	vst v8;
	v8 =	vld [tilespmem:s26+$0x9E00]  }
0xfd: {  	s21 =	sor.u32 $0x100, s0;
	s5 =	sor.u32 $0x100, s10;
	s6 =	sor.u32 $0x100, s4;
	v9 =	vld [tilespmem:s30+$0x0];
	[tilespmem:s25+$0x80] =	vst v7;
	v12 =	vmul.f32 v12, v13  }
0xfe: {  	s4 =	sor.u32 $0x180, s4;
	s30 =	sor.u32 $0x180, s0;
	s0 =	sor.u32 $0x180, s10;
	v11 =	vld [tilespmem:s9+$0x0];
	[tilespmem:s24+$0x0] =	vst v6  }
0xff: {  	p1 =	slt.u32 s16, $0x26C0;
	v6 =	vld [tilespmem:s5+$0x9E00];
	[tilespmem:s24+$0x80] =	vst v12;
	v7 =	vpop (erf)  }
0x100: {  	v12 =	vnsel vm1, $0x0, v7;
	v7 =	vld [tilespmem:s6+$0x9E00]  }
0x101: {  	(erf) = vrcp.f32 v15;
	v8 =	vmul.f32 v8, v10;
	v16 =	vld [tilespmem:s19+$0x9E00]  }
0x102: {  	vm2 =	vgt.f32 v9, $0.0e+00;
	(erf) = vrcp.f32 v9;
	v9 =	vmul.f32 v12, v14;
	v14 =	vld [tilespmem:s18+$0x9E00]  }
0x103: {  	s20 =	sadd.s32 $0x100, s20;
	s23 =	sor.u32 $0x180, s23;
	v4 =	vmul.f32 v4, v12;
	vm0 =	vgt.f32 v11, $0.0e+00;
	(erf) = vrcp.f32 v11;
	[tilespmem:s26+$0x9E00] =	vst v8;
	v8 =	vld [tilespmem:s17+$0x9E00]  }
0x104: {  	s10 =	sand.u32 $0xFE00, s20;
	s9 =	sshra.s32 s20, $0x2;
	[tilespmem:s22+$0x0] =	vst v9;
	v6 =	vmul.f32 v6, v5;
	v9 =	vld [tilespmem:s23+$0x9E00]  }
0x105: {  	v11 =	vld [tilespmem:s9+$0x13C00];
	s9 =	sadd.s32 $0x9E00, s10  }
0x106: {  	[tilespmem:s22+$0x80] =	vst v4;
	v17 =	vmul.f32 v7, v13;
	s25 =	sor.u32 s31, s9  }
.Ltmp2:
0x107: {  	s24 =	sor.u32 s1, s9;
	s26 =	sor.u32 s29, s9;
	v4 =	vld [tilespmem:s21+$0x9E00];
	[tilespmem:s5+$0x9E00] =	vst v6;
	v16 =	vmul.f32 v16, v2;
	(pc) =	sbr.rel @p1 .LBB2_6-.Ltmp2, $4  }
0x108: {  	s22 =	sor.u32 s28, s9;
	v2 =	vmov v5;
	v7 =	vld [tilespmem:s26+$0x0];
	[tilespmem:s6+$0x9E00] =	vst v17;
	v14 =	vmul.f32 v14, v1;
	v1 =	vmov v13  }
0x109: {  	v6 =	vld [tilespmem:s26+$0x80];
	v13 =	vmul.f32 v8, v3;
	[tilespmem:s19+$0x9E00] =	vst v16;
	v3 =	vmov v12;
	s19 =	smov.u32 s0  }
0x10a: {  	v8 =	vld [tilespmem:s25+$0x0];
	v5 =	vmul.f32 v9, v10;
	[tilespmem:s18+$0x9E00] =	vst v14;
	s18 =	smov.u32 s4  }
0x10b: {  	p0 =	por !p0, !p0;
	vm3 =	vgt.f32 v15, $0.0e+00;
	vm1 =	vgt.f32 v11, $0.0e+00;
	v9 =	vld [tilespmem:s25+$0x80];
	(erf) = vrcp.f32 v11;
	v10 =	vpop (erf);
	[tilespmem:s17+$0x9E00] =	vst v13;
	s17 =	smov.u32 s30  }
0x10c: {  	_ =	sdelay $0x2  }
0x10d: {  	v11 =	vld [tilespmem:s24+$0x0];
	v10 =	vnsel vm3, $0x0, v10  }
0x10e: {  	v12 =	vpop (erf);
	v13 =	vld [tilespmem:s24+$0x80];
	v7 =	vmul.f32 v10, v7  }
0x10f: {  	s0 =	simm.s32 $0x1;
	v14 =	vld [tilespmem:s22+$0x0];
	v12 =	vnsel vm2, $0x0, v12;
	v6 =	vmul.f32 v6, v10  }
0x110: {  	v47 =	vld [tilespmem:s22+$0x80];
	s0 =	simm.s32 @!p0 $0x0;
	v15 =	vpop (erf);
	[tilespmem:s26+$0x0] =	vst v7;
	v8 =	vmul.f32 v12, v8  }
0x111: {  	s0 =	sshll.u32 s0, $0x6;
	v48 =	vnsel vm0, $0x0, v15;
	[tilespmem:s26+$0x80] =	vst v6;
	v9 =	vmul.f32 v9, v12  }
0x112: {  	s0 =	sadd.s32 s0, s20;
	[tilespmem:s25+$0x0] =	vst v8;
	v49 =	vmul.f32 v48, v11;
	v50 =	vpop (erf)  }
0x113: {  	s1 =	sadd.s32 $0x30, s0;
	v51 =	vmul.f32 v13, v48;
	[tilespmem:s25+$0x80] =	vst v9;
	v11 =	vnsel vm1, $0x0, v50  }
0x114: {  	s5 =	sadd.s32 $0x10, s0;
	s4 =	sor.u32 $0x100, s1;
	[tilespmem:s24+$0x0] =	vst v49;
	v52 =	vmul.f32 v11, v14  }
0x115: {  	s6 =	sadd.s32 $0x20, s0;
	s9 =	sor.u32 $0x100, s5;
	v53 =	vld [tilespmem:s4+$0x9E00];
	[tilespmem:s24+$0x80] =	vst v51;
	v7 =	vmul.f32 v47, v11  }
0x116: {  	s10 =	sor.u32 $0x100, s6;
	v54 =	vld [tilespmem:s9+$0x9E00];
	[tilespmem:s22+$0x0] =	vst v52  }
0x117: {  	s16 =	sor.u32 $0x100, s0;
	v55 =	vld [tilespmem:s10+$0x9E00];
	[tilespmem:s22+$0x80] =	vst v7  }
0x118: {  	v8 =	vld [tilespmem:s16+$0x9E00]  }
0x119: {  	v4 =	vmul.f32 v4, v3  }
0x11a: {  	v56 =	vld [tilespmem:s19+$0x9E00];
	v13 =	vmul.f32 v53, v10  }
0x11b: {  	v57 =	vld [tilespmem:s18+$0x9E00];
	[tilespmem:s21+$0x9E00] =	vst v4;
	v9 =	vmul.f32 v54, v12  }
0x11c: {  	v58 =	vld [tilespmem:s17+$0x9E00];
	s1 =	sor.u32 $0x180, s1;
	[tilespmem:s4+$0x9E00] =	vst v13;
	v7 =	vmul.f32 v55, v48  }
0x11d: {  	s30 =	sor.u32 $0x180, s5;
	[tilespmem:s9+$0x9E00] =	vst v9;
	v59 =	vld [tilespmem:s1+$0x9E00];
	v8 =	vmul.f32 v8, v11  }
0x11e: {  	s31 =	sor.u32 $0x180, s6;
	[tilespmem:s10+$0x9E00] =	vst v7;
	v60 =	vld [tilespmem:s30+$0x9E00]  }
0x11f: {  	s0 =	sor.u32 $0x180, s0;
	v2 =	vmul.f32 v56, v2;
	v61 =	vld [tilespmem:s31+$0x9E00];
	[tilespmem:s16+$0x9E00] =	vst v8  }
0x120: {  	[tilespmem:s23+$0x9E00] =	vst v5;
	v1 =	vmul.f32 v57, v1;
	v62 =	vld [tilespmem:s0+$0x9E00]  }
0x121: {  	[tilespmem:s19+$0x9E00] =	vst v2;
	v3 =	vmul.f32 v58, v3  }
0x122: {  	[tilespmem:s18+$0x9E00] =	vst v1;
	v2 =	vmul.f32 v59, v10  }
0x123: {  	[tilespmem:s17+$0x9E00] =	vst v3;
	v1 =	vmul.f32 v60, v12  }
0x124: {  	[tilespmem:s1+$0x9E00] =	vst v2;
	v2 =	vmul.f32 v61, v48  }
0x125: {  	[tilespmem:s30+$0x9E00] =	vst v1;
	v3 =	vmul.f32 v62, v11  }
0x126: {  	[tilespmem:s31+$0x9E00] =	vst v2  }
0x127: {  	[tilespmem:s0+$0x9E00] =	vst v3  }
0x128: {  	v1 =	vld [tilespmem:$0x16300];
	_ =	sdelay $0x4  }
0x129: {  	(erf) = vrcp.f32 v1;
	_ =	sdelay $0x5  }
0x12a: {  	v2 =	vld [tilespmem:$0x13A00]  }
0x12b: {  	v3 =	vld [tilespmem:$0x13A80]  }
0x12c: {  	v63 =	vld [tilespmem:$0x13B00]  }
0x12d: {  	v5 =	vld [tilespmem:$0x13B80];
	vm15 =	vgt.f32 v1, $0.0e+00;
	v1 =	vpop (erf)  }
0x12e: {  	v1 =	vnsel vm15, $0x0, v1  }
0x12f: {  	v2 =	vmul.f32 v1, v2  }
0x130: {  	v3 =	vmul.f32 v3, v1  }
0x131: {  	[tilespmem:$0x13A00] =	vst v2;
	v2 =	vmul.f32 v63, v1  }
0x132: {  	s15 =	sadd.s32 $0x1, s15;
	[tilespmem:$0x13A80] =	vst v3;
	v1 =	vmul.f32 v5, v1  }
0x133: {  	p0 =	sne.s32 s15, s8;
	[tilespmem:$0x13B00] =	vst v2  }
.Ltmp3:
0x134: {  	s4 =	simm.s32 $0x400;
	s1 =	simm.s32 $0x200;
	[tilespmem:$0x13B80] =	vst v1;
	(pc) =	sbr.rel @p0 .LBB2_1-.Ltmp3, $4  }
0x135: {  	[hbm4b:s7+s1] =	stream.strided.scatter [tilespmem:s12], [sflag:$0x1], $0x9E00, s4, s1, $0x38;
	[tilespmem:$0x1D980] =	vst v63  }
0x136: {  	_ =	swait.ge [sflag:s11], $0x9E00  }
0x137: {  	[sflag:s11] =	ssyncset.done $0x0  }
0x138: {  	[sflag:s11] =	ssyncadd.s32 $0xFFFF6200  }
0x139: {  	_ =	sfence.sel $0x180000  }
0x13a: {  	[bflag:$0x0] =	sbarrier.arrive $0xFFFF  }
0x13b: {  	_ =	strace $0x90000047  }
0x13c: {  	s0 =	stileid.u32;
	[bflag:$0x2] =	sbarrier.arrive $0xFFFF  }
0x13d: {  	p0 =	sne.s32 s0, $0x0;
	s0 =	rddreg [dreg:$0x2]  }
0x13e: {  	s0 =	sadd.s32 @!p0 $0x100000, s0  }
0x13f: {  	[sflag:s0] =	ssyncadd.tile.s32 @!p0 $0x1;
	_ =	shalt  }
.Lfunc_end2:
_tile_overlayer_lowered:
.L_overlay_start_2:
0x140: {  	(tag) =	ssettag $0x2  }
0x141: {  	s0 =	rddreg [dreg:$0x0];
	s2 =	stileid.u32  }
0x142: {  	s1 =	rddreg [dreg:$0x1];
	p0 =	sne.s32 s2, $0x0  }
0x143: {  	s3 =	rddreg [dreg:$0x2];
	[bflag:$0x3] =	sbarrier.arrive $0xFFFF;
	s2 =	simm.s32 @!p0 $0x1C01  }
0x144: {  	[timem:s3], [sflag:s2] =	dma.local @!p0 [hbm:s0], s1  }
0x145: {  	s0 =	simm.s32 @!p0 $0x1  }
0x146: {  	_ =	swait.ge @!p0 [sflag:s0], s1  }
0x147: {  	s1 =	ssub.s32 @!p0 $0x0, s1;
	[sflag:s0] =	ssyncset.done @!p0 $0x0  }
0x148: {  	[sflag:s0] =	ssyncadd.s32 @!p0 s1  }
0x149: {  	[bflag:$0x3] =	sbarrier.arrive $0xFFFF  }
0x14a: {  	_ =	shalt  }

</sc_bundles>
